<compile_context>
chip_gen: v7x
topology: tpu7x:2x2x1
jax: 0.10.2.dev20260603
libtpu: 0.0.44.dev20260713+nightly
codegen_flags: <defaults>
</compile_context>

<pallas_src>
import functools

import jax
import jax.numpy as jnp
from jax import lax
from jax.experimental import pallas as pl
from jax.experimental.pallas import tpu as pltpu
from jax.experimental.pallas import tpu_sc as plsc

N_NODES = 10000
N_PAD = 10240
D_IN = 128
D_HID = 128
D_OUT = 64

NC = 2
NS = 16
L = 16
NW = NC * NS
CHUNK = 128
E_PAD = 327680
CHUNKS = E_PAD // (NW * CHUNK)
ROWS_PER_TILE = N_PAD // NS

BM = 256


def _mesh():
    return plsc.VectorSubcoreMesh(core_axis_name="c", subcore_axis_name="s")


def _make_deg_kernel():
    @functools.partial(
        pl.kernel,
        mesh=_mesh(),
        out_type=[jax.ShapeDtypeStruct((N_PAD, L), jnp.float32),
                  jax.ShapeDtypeStruct((N_PAD, L), jnp.float32)],
        scratch_types=[
            pltpu.VMEM((CHUNKS, CHUNK), jnp.int32),
            pltpu.VMEM((CHUNK, L), jnp.float32),
            pltpu.VMEM_SHARED((N_PAD, L), jnp.float32),
        ],
        compiler_params=pltpu.CompilerParams(use_tc_tiling_on_sc=False),
    )
    def deg_kernel(dst_hbm, ones_hbm, zeros_hbm, out_a, out_b,
                   dst_v, ones_v, acc):
        c = lax.axis_index("c")
        s = lax.axis_index("s")
        wid = c * NS + s
        r0 = s * ROWS_PER_TILE
        stripe = pl.ds(r0, ROWS_PER_TILE)
        pltpu.sync_copy(zeros_hbm.at[stripe], acc.at[stripe])
        pltpu.sync_copy(ones_hbm, ones_v)
        pltpu.sync_copy(dst_hbm.at[pl.ds(wid * CHUNKS, CHUNKS)], dst_v)
        plsc.subcore_barrier()

        def body(j, carry):
            pltpu.sync_copy(ones_v, acc.at[dst_v.at[j]], add=True)
            return carry

        lax.fori_loop(0, CHUNKS, body, 0)
        plsc.subcore_barrier()

        @pl.when(c == 0)
        def _():
            pltpu.sync_copy(acc.at[stripe], out_a.at[stripe])

        @pl.when(c == 1)
        def _():
            pltpu.sync_copy(acc.at[stripe], out_b.at[stripe])

    return deg_kernel


def _make_agg_kernel(d_feat):
    @functools.partial(
        pl.kernel,
        mesh=_mesh(),
        out_type=[jax.ShapeDtypeStruct((N_PAD, d_feat), jnp.float32),
                  jax.ShapeDtypeStruct((N_PAD, d_feat), jnp.float32)],
        scratch_types=[
            pltpu.VMEM((CHUNKS, CHUNK), jnp.int32),
            pltpu.VMEM((CHUNKS, CHUNK), jnp.int32),
            pltpu.VMEM((CHUNK, d_feat), jnp.float32),
            pltpu.VMEM_SHARED((N_PAD, d_feat), jnp.float32),
            pltpu.SemaphoreType.DMA,
        ],
        compiler_params=pltpu.CompilerParams(use_tc_tiling_on_sc=False),
    )
    def agg_kernel(xs_hbm, src_hbm, dst_hbm, out_a, out_b,
                   src_v, dst_v, rows_v, acc, sem):
        c = lax.axis_index("c")
        s = lax.axis_index("s")
        wid = c * NS + s
        r0 = s * ROWS_PER_TILE
        stripe = pl.ds(r0, ROWS_PER_TILE)
        pltpu.sync_copy(xs_hbm.at[stripe], acc.at[stripe])
        pltpu.sync_copy(src_hbm.at[pl.ds(wid * CHUNKS, CHUNKS)], src_v)
        pltpu.sync_copy(dst_hbm.at[pl.ds(wid * CHUNKS, CHUNKS)], dst_v)
        plsc.subcore_barrier()

        def body(j, carry):
            pltpu.async_copy(xs_hbm.at[src_v.at[j]], rows_v, sem).wait()
            pltpu.sync_copy(rows_v, acc.at[dst_v.at[j]], add=True)
            return carry

        lax.fori_loop(0, CHUNKS, body, 0)
        plsc.subcore_barrier()

        @pl.when(c == 0)
        def _():
            pltpu.sync_copy(acc.at[stripe], out_a.at[stripe])

        @pl.when(c == 1)
        def _():
            pltpu.sync_copy(acc.at[stripe], out_b.at[stripe])

    return agg_kernel


_deg_call = _make_deg_kernel()
_agg_hid = _make_agg_kernel(D_HID)
_agg_out = _make_agg_kernel(D_OUT)


def _dis(ca_ref, cb_ref):
    return lax.rsqrt(ca_ref[:, :1] + cb_ref[:, :1] + 1.0)


def _xs1_body(x_ref, w_ref, ca_ref, cb_ref, o_ref):
    dis = _dis(ca_ref, cb_ref)
    o_ref[...] = jnp.dot(x_ref[...], w_ref[...],
                         preferred_element_type=jnp.float32) * dis


def _tc_xs1(x, w1, cnt_a, cnt_b):
    return pl.pallas_call(
        _xs1_body,
        grid=(N_PAD // BM,),
        in_specs=[
            pl.BlockSpec((BM, D_IN), lambda i: (i, 0)),
            pl.BlockSpec((D_IN, D_HID), lambda i: (0, 0)),
            pl.BlockSpec((BM, L), lambda i: (i, 0)),
            pl.BlockSpec((BM, L), lambda i: (i, 0)),
        ],
        out_specs=pl.BlockSpec((BM, D_HID), lambda i: (i, 0)),
        out_shape=jax.ShapeDtypeStruct((N_PAD, D_HID), jnp.float32),
    )(x, w1, cnt_a, cnt_b)


def _xs2_body(aa_ref, ab_ref, xs_ref, ca_ref, cb_ref, b1_ref, w2_ref, o_ref):
    dis = _dis(ca_ref, cb_ref)
    h = dis * (aa_ref[...] + ab_ref[...] - xs_ref[...]) + b1_ref[...]
    h = jnp.maximum(h, 0.0)
    o_ref[...] = jnp.dot(h, w2_ref[...],
                         preferred_element_type=jnp.float32) * dis


def _tc_xs2(agg_a, agg_b, xs1, cnt_a, cnt_b, b1, w2):
    return pl.pallas_call(
        _xs2_body,
        grid=(N_PAD // BM,),
        in_specs=[
            pl.BlockSpec((BM, D_HID), lambda i: (i, 0)),
            pl.BlockSpec((BM, D_HID), lambda i: (i, 0)),
            pl.BlockSpec((BM, D_HID), lambda i: (i, 0)),
            pl.BlockSpec((BM, L), lambda i: (i, 0)),
            pl.BlockSpec((BM, L), lambda i: (i, 0)),
            pl.BlockSpec((1, D_HID), lambda i: (0, 0)),
            pl.BlockSpec((D_HID, D_OUT), lambda i: (0, 0)),
        ],
        out_specs=pl.BlockSpec((BM, D_OUT), lambda i: (i, 0)),
        out_shape=jax.ShapeDtypeStruct((N_PAD, D_OUT), jnp.float32),
    )(agg_a, agg_b, xs1, cnt_a, cnt_b, b1, w2)


def _final_body(aa_ref, ab_ref, xs_ref, ca_ref, cb_ref, b2_ref, o_ref):
    dis = _dis(ca_ref, cb_ref)
    v = dis * (aa_ref[...] + ab_ref[...] - xs_ref[...]) + b2_ref[...]
    m = jnp.max(v, axis=1, keepdims=True)
    e = jnp.exp(v - m)
    o_ref[...] = (v - m) - jnp.log(jnp.sum(e, axis=1, keepdims=True))


def _tc_final(agg_a, agg_b, xs2, cnt_a, cnt_b, b2):
    return pl.pallas_call(
        _final_body,
        grid=(N_PAD // BM,),
        in_specs=[
            pl.BlockSpec((BM, D_OUT), lambda i: (i, 0)),
            pl.BlockSpec((BM, D_OUT), lambda i: (i, 0)),
            pl.BlockSpec((BM, D_OUT), lambda i: (i, 0)),
            pl.BlockSpec((BM, L), lambda i: (i, 0)),
            pl.BlockSpec((BM, L), lambda i: (i, 0)),
            pl.BlockSpec((1, D_OUT), lambda i: (0, 0)),
        ],
        out_specs=pl.BlockSpec((BM, D_OUT), lambda i: (i, 0)),
        out_shape=jax.ShapeDtypeStruct((N_PAD, D_OUT), jnp.float32),
    )(agg_a, agg_b, xs2, cnt_a, cnt_b, b2)


def kernel(x, edge_index, W1, b1, W2, b2):
    n_edges = edge_index.shape[1]
    src = edge_index[0].astype(jnp.int32)
    dst = edge_index[1].astype(jnp.int32)
    pad = jnp.full((E_PAD - n_edges,), N_NODES, dtype=jnp.int32)
    src2d = jnp.concatenate([src, pad]).reshape(NW * CHUNKS, CHUNK)
    dst2d = jnp.concatenate([dst, pad]).reshape(NW * CHUNKS, CHUNK)
    xp = jnp.pad(x.astype(jnp.float32), ((0, N_PAD - N_NODES), (0, 0)))
    ones = jnp.ones((CHUNK, L), jnp.float32)
    zeros = jnp.zeros((N_PAD, L), jnp.float32)

    cnt_a, cnt_b = _deg_call(dst2d, ones, zeros)

    xs1 = _tc_xs1(xp, W1.astype(jnp.float32), cnt_a, cnt_b)
    agg_a, agg_b = _agg_hid(xs1, src2d, dst2d)
    xs2 = _tc_xs2(agg_a, agg_b, xs1, cnt_a, cnt_b,
                  b1.astype(jnp.float32).reshape(1, D_HID),
                  W2.astype(jnp.float32))
    agg2_a, agg2_b = _agg_out(xs2, src2d, dst2d)
    out = _tc_final(agg2_a, agg2_b, xs2, cnt_a, cnt_b,
                    b2.astype(jnp.float32).reshape(1, D_OUT))
    return out[:N_NODES]

# --- scband reference (transcript-rebuilt; emitter-appended) ---
"""Pipeline reference for scband-gcn-979252543624 (READ-ONLY COPY).

The authoritative reference and input builder live on the scoring server;
editing this copy changes nothing except your own understanding.
"""

import jax, jax.numpy as jnp
import numpy as np

N_NODES = 10000
N_EDGES = 320000
D_IN = 128
D_HID = 128
D_OUT = 64


def _gcn_conv(x, edge_index, W, b):
    # Faithful PyG GCNConv: add self-loops, symmetric normalization, linear, scatter-add aggregate.
    N = x.shape[0]
    sl = jnp.arange(N, dtype=edge_index.dtype)
    src = jnp.concatenate([edge_index[0], sl])
    dst = jnp.concatenate([edge_index[1], sl])
    deg = jnp.zeros((N,), dtype=x.dtype).at[dst].add(1.0)
    deg_inv_sqrt = jnp.where(deg > 0, 1.0 / jnp.sqrt(deg), 0.0)
    norm = deg_inv_sqrt[src] * deg_inv_sqrt[dst]
    xw = x @ W
    msgs = jnp.take(xw, src, axis=0) * norm[:, None]
    out = jnp.zeros((N, W.shape[1]), dtype=x.dtype).at[dst].add(msgs)
    return out + b


def setup_inputs(seed: int = 0) -> dict:
    key = jax.random.key(seed)
    k1, k2, k3, k4 = jax.random.split(key, 4)
    x = jax.random.normal(k1, (N_NODES, D_IN), dtype=jnp.float32)
    edge_index = jax.random.randint(k2, (2, N_EDGES), 0, N_NODES, dtype=jnp.int64)
    s1 = float(np.sqrt(1.0 / D_IN))
    s2 = float(np.sqrt(1.0 / D_HID))
    W1 = jax.random.uniform(k3, (D_IN, D_HID), dtype=jnp.float32, minval=-s1, maxval=s1)
    b1 = jnp.zeros((D_HID,), dtype=jnp.float32)
    W2 = jax.random.uniform(k4, (D_HID, D_OUT), dtype=jnp.float32, minval=-s2, maxval=s2)
    b2 = jnp.zeros((D_OUT,), dtype=jnp.float32)
    return {"x": x, "edge_index": edge_index, "W1": W1, "b1": b1, "W2": W2, "b2": b2}


def reference(x, edge_index, W1, b1, W2, b2):
    h = _gcn_conv(x, edge_index, W1, b1)
    h = jax.nn.relu(h)
    # dropout p=0.5 is identity in eval mode (self.training == False)
    h = _gcn_conv(h, edge_index, W2, b2)
    return jax.nn.log_softmax(h, axis=1)

if __name__ == "__main__":
    import jax
    _d = setup_inputs()
    print(jax.jit(kernel)(*tuple(_d.values())))

</pallas_src>

<mosaic_0001>
#map = affine_map<(d0, d1) -> (0, 0)>
module attributes {stable_mosaic.version = 14 : i64} {
  func.func @agg_kernel(%arg0: i32, %arg1: i32, %arg2: memref<10240x128xf32, #tpu.memory_space<hbm>>, %arg3: memref<2560x128xi32, #tpu.memory_space<hbm>>, %arg4: memref<2560x128xi32, #tpu.memory_space<hbm>>, %arg5: memref<10240x128xf32, #tpu.memory_space<hbm>>, %arg6: memref<10240x128xf32, #tpu.memory_space<hbm>>, %arg7: memref<80x128xi32, #tpu.memory_space<vmem>>, %arg8: memref<80x128xi32, #tpu.memory_space<vmem>>, %arg9: memref<128x128xf32, #tpu.memory_space<vmem>>, %arg10: memref<10240x128xf32, #tpu.memory_space<vmem_shared>>, %arg11: memref<!tpu.dma_semaphore, #tpu.memory_space<semaphore_mem>>) attributes {dimension_semantics = [#tpu.dimension_semantics<core_parallel>, #tpu.dimension_semantics<subcore_parallel>], iteration_bounds = array<i64: 2, 16>, scalar_prefetch = 0 : i64, scratch_operands = 5 : i64, tpu.core_type = #tpu.core_type<sc_vector_subcore>, window_params = [{transform_indices = #map}, {transform_indices = #map}, {transform_indices = #map}, {transform_indices = #map}, {transform_indices = #map}]} {
    %mul3A = arith.constant 16 : i32
    %mul3A_0 = arith.muli %arg0, %mul3A : i32
    %add3A = arith.addi %mul3A_0, %arg1 : i32
    %mul3A_1 = arith.constant 640 : i32
    %mul3A_2 = arith.muli %arg1, %mul3A_1 : i32
    "tpu.region"() ({
      %run_scoped3A = tpu.sem_alloc : memref<!tpu.dma_semaphore, #tpu.memory_space<semaphore_mem>>
      %dma_start3A = arith.constant 0 : i32
      %dma_start3A_20 = tpu.memref_slice %arg10[%mul3A_2, %dma_start3A] : memref<10240x128xf32, #tpu.memory_space<vmem_shared>> -> memref<640x128xf32, #tpu.memory_space<vmem_shared>>
      %dma_start3A_21 = arith.constant 0 : i32
      %dma_start3A_22 = tpu.memref_slice %arg2[%mul3A_2, %dma_start3A_21] : memref<10240x128xf32, #tpu.memory_space<hbm>> -> memref<640x128xf32, #tpu.memory_space<hbm>>
      tpu.enqueue_dma source(%dma_start3A_22 : memref<640x128xf32, #tpu.memory_space<hbm>>) target(%dma_start3A_20 : memref<640x128xf32, #tpu.memory_space<vmem_shared>>) target_semaphore(%run_scoped3A : memref<!tpu.dma_semaphore, #tpu.memory_space<semaphore_mem>>)
      %dma_wait3A = arith.constant 0 : i32
      %dma_wait3A_23 = tpu.memref_slice %arg10[%mul3A_2, %dma_wait3A] : memref<10240x128xf32, #tpu.memory_space<vmem_shared>> -> memref<640x128xf32, #tpu.memory_space<vmem_shared>>
      %dma_wait3A_24 = arith.constant 0 : i32
      %dma_wait3A_25 = tpu.memref_slice %arg2[%mul3A_2, %dma_wait3A_24] : memref<10240x128xf32, #tpu.memory_space<hbm>> -> memref<640x128xf32, #tpu.memory_space<hbm>>
      tpu.wait_dma2 semaphore(%run_scoped3A : memref<!tpu.dma_semaphore, #tpu.memory_space<semaphore_mem>>) src(%dma_wait3A_25 : memref<640x128xf32, #tpu.memory_space<hbm>>) dst(%dma_wait3A_23 : memref<640x128xf32, #tpu.memory_space<vmem_shared>>)
      tpu.yield
    }) : () -> ()
    %mul3A_3 = arith.constant 80 : i32
    %mul3A_4 = arith.muli %add3A, %mul3A_3 : i32
    "tpu.region"() ({
      %run_scoped3A = tpu.sem_alloc : memref<!tpu.dma_semaphore, #tpu.memory_space<semaphore_mem>>
      %dma_start3A = arith.constant 0 : i32
      %dma_start3A_20 = tpu.memref_slice %arg3[%mul3A_4, %dma_start3A] : memref<2560x128xi32, #tpu.memory_space<hbm>> -> memref<80x128xi32, #tpu.memory_space<hbm>>
      %dma_start3A_21 = arith.constant 0 : i32
      %dma_start3A_22 = tpu.memref_slice %arg3[%mul3A_4, %dma_start3A_21] : memref<2560x128xi32, #tpu.memory_space<hbm>> -> memref<80x128xi32, #tpu.memory_space<hbm>>
      tpu.enqueue_dma source(%dma_start3A_22 : memref<80x128xi32, #tpu.memory_space<hbm>>) target(%arg7 : memref<80x128xi32, #tpu.memory_space<vmem>>) target_semaphore(%run_scoped3A : memref<!tpu.dma_semaphore, #tpu.memory_space<semaphore_mem>>)
      %dma_wait3A = arith.constant 0 : i32
      %dma_wait3A_23 = tpu.memref_slice %arg3[%mul3A_4, %dma_wait3A] : memref<2560x128xi32, #tpu.memory_space<hbm>> -> memref<80x128xi32, #tpu.memory_space<hbm>>
      %dma_wait3A_24 = arith.constant 0 : i32
      %dma_wait3A_25 = tpu.memref_slice %arg3[%mul3A_4, %dma_wait3A_24] : memref<2560x128xi32, #tpu.memory_space<hbm>> -> memref<80x128xi32, #tpu.memory_space<hbm>>
      tpu.wait_dma2 semaphore(%run_scoped3A : memref<!tpu.dma_semaphore, #tpu.memory_space<semaphore_mem>>) src(%dma_wait3A_25 : memref<80x128xi32, #tpu.memory_space<hbm>>) dst(%arg7 : memref<80x128xi32, #tpu.memory_space<vmem>>)
      tpu.yield
    }) : () -> ()
    %mul3A_5 = arith.constant 80 : i32
    %mul3A_6 = arith.muli %add3A, %mul3A_5 : i32
    "tpu.region"() ({
      %run_scoped3A = tpu.sem_alloc : memref<!tpu.dma_semaphore, #tpu.memory_space<semaphore_mem>>
      %dma_start3A = arith.constant 0 : i32
      %dma_start3A_20 = tpu.memref_slice %arg4[%mul3A_6, %dma_start3A] : memref<2560x128xi32, #tpu.memory_space<hbm>> -> memref<80x128xi32, #tpu.memory_space<hbm>>
      %dma_start3A_21 = arith.constant 0 : i32
      %dma_start3A_22 = tpu.memref_slice %arg4[%mul3A_6, %dma_start3A_21] : memref<2560x128xi32, #tpu.memory_space<hbm>> -> memref<80x128xi32, #tpu.memory_space<hbm>>
      tpu.enqueue_dma source(%dma_start3A_22 : memref<80x128xi32, #tpu.memory_space<hbm>>) target(%arg8 : memref<80x128xi32, #tpu.memory_space<vmem>>) target_semaphore(%run_scoped3A : memref<!tpu.dma_semaphore, #tpu.memory_space<semaphore_mem>>)
      %dma_wait3A = arith.constant 0 : i32
      %dma_wait3A_23 = tpu.memref_slice %arg4[%mul3A_6, %dma_wait3A] : memref<2560x128xi32, #tpu.memory_space<hbm>> -> memref<80x128xi32, #tpu.memory_space<hbm>>
      %dma_wait3A_24 = arith.constant 0 : i32
      %dma_wait3A_25 = tpu.memref_slice %arg4[%mul3A_6, %dma_wait3A_24] : memref<2560x128xi32, #tpu.memory_space<hbm>> -> memref<80x128xi32, #tpu.memory_space<hbm>>
      tpu.wait_dma2 semaphore(%run_scoped3A : memref<!tpu.dma_semaphore, #tpu.memory_space<semaphore_mem>>) src(%dma_wait3A_25 : memref<80x128xi32, #tpu.memory_space<hbm>>) dst(%arg8 : memref<80x128xi32, #tpu.memory_space<vmem>>)
      tpu.yield
    }) : () -> ()
    %barrier3A = arith.constant 0 : index
    tpu.barrier barrier_id(%barrier3A)
    %scan3A = arith.constant 0 : i32
    %scan3A_7 = arith.constant 0 : i32
    %scan3A_8 = arith.constant 80 : i32
    %scan3A_9 = arith.addi %scan3A_7, %scan3A_8 : i32
    %scan3A_10 = arith.constant 1 : i32
    scf.for %scan3A_20 = %scan3A_7 to %scan3A_9 step %scan3A_10  : i32 {
      %dma_start3A = arith.constant 0 : i32
      %dma_start3A_21 = tpu.memref_slice %arg7[%scan3A_20, %dma_start3A] : memref<80x128xi32, #tpu.memory_space<vmem>> -> memref<1x128xi32, #tpu.memory_space<vmem>>
      %dma_start3A_22 = tpu.memref_squeeze %dma_start3A_21 : memref<1x128xi32, #tpu.memory_space<vmem>> -> memref<128xi32, #tpu.memory_space<vmem>>
      %dma_start3A_23 = arith.constant 0 : i32
      %dma_start3A_24 = arith.constant 0 : i32
      %dma_start3A_25 = tpu.memref_slice %arg2[%dma_start3A_23, %dma_start3A_24] : memref<10240x128xf32, #tpu.memory_space<hbm>> -> memref<10240x128xf32, #tpu.memory_space<hbm>>
      tpu.enqueue_indirect_dma source(%dma_start3A_25 : memref<10240x128xf32, #tpu.memory_space<hbm>>) target(%arg9 : memref<128x128xf32, #tpu.memory_space<vmem>>) offsets(%dma_start3A_22 : memref<128xi32, #tpu.memory_space<vmem>>) semaphore(%arg11 : memref<!tpu.dma_semaphore, #tpu.memory_space<semaphore_mem>>)
      %dma_wait3A = arith.constant 0 : i32
      %dma_wait3A_26 = tpu.memref_slice %arg7[%scan3A_20, %dma_wait3A] : memref<80x128xi32, #tpu.memory_space<vmem>> -> memref<1x128xi32, #tpu.memory_space<vmem>>
      %dma_wait3A_27 = tpu.memref_squeeze %dma_wait3A_26 : memref<1x128xi32, #tpu.memory_space<vmem>> -> memref<128xi32, #tpu.memory_space<vmem>>
      %dma_wait3A_28 = arith.constant 0 : i32
      %dma_wait3A_29 = arith.constant 0 : i32
      %dma_wait3A_30 = tpu.memref_slice %arg2[%dma_wait3A_28, %dma_wait3A_29] : memref<10240x128xf32, #tpu.memory_space<hbm>> -> memref<10240x128xf32, #tpu.memory_space<hbm>>
      tpu.wait_indirect_dma semaphore(%arg11 : memref<!tpu.dma_semaphore, #tpu.memory_space<semaphore_mem>>) src(%dma_wait3A_30 : memref<10240x128xf32, #tpu.memory_space<hbm>>) dst(%arg9 : memref<128x128xf32, #tpu.memory_space<vmem>>)
      "tpu.region"() ({
        %run_scoped3A = tpu.sem_alloc : memref<!tpu.dma_semaphore, #tpu.memory_space<semaphore_mem>>
        %dma_start3A_31 = arith.constant 0 : i32
        %dma_start3A_32 = tpu.memref_slice %arg8[%scan3A_20, %dma_start3A_31] : memref<80x128xi32, #tpu.memory_space<vmem>> -> memref<1x128xi32, #tpu.memory_space<vmem>>
        %dma_start3A_33 = tpu.memref_squeeze %dma_start3A_32 : memref<1x128xi32, #tpu.memory_space<vmem>> -> memref<128xi32, #tpu.memory_space<vmem>>
        %dma_start3A_34 = arith.constant 0 : i32
        %dma_start3A_35 = arith.constant 0 : i32
        %dma_start3A_36 = tpu.memref_slice %arg10[%dma_start3A_34, %dma_start3A_35] : memref<10240x128xf32, #tpu.memory_space<vmem_shared>> -> memref<10240x128xf32, #tpu.memory_space<vmem_shared>>
        tpu.enqueue_indirect_dma source(%arg9 : memref<128x128xf32, #tpu.memory_space<vmem>>) target(%dma_start3A_36 : memref<10240x128xf32, #tpu.memory_space<vmem_shared>>) offsets(%dma_start3A_33 : memref<128xi32, #tpu.memory_space<vmem>>) semaphore(%run_scoped3A : memref<!tpu.dma_semaphore, #tpu.memory_space<semaphore_mem>>) {add = true}
        %dma_wait3A_37 = arith.constant 0 : i32
        %dma_wait3A_38 = tpu.memref_slice %arg8[%scan3A_20, %dma_wait3A_37] : memref<80x128xi32, #tpu.memory_space<vmem>> -> memref<1x128xi32, #tpu.memory_space<vmem>>
        %dma_wait3A_39 = tpu.memref_squeeze %dma_wait3A_38 : memref<1x128xi32, #tpu.memory_space<vmem>> -> memref<128xi32, #tpu.memory_space<vmem>>
        %dma_wait3A_40 = arith.constant 0 : i32
        %dma_wait3A_41 = arith.constant 0 : i32
        %dma_wait3A_42 = tpu.memref_slice %arg10[%dma_wait3A_40, %dma_wait3A_41] : memref<10240x128xf32, #tpu.memory_space<vmem_shared>> -> memref<10240x128xf32, #tpu.memory_space<vmem_shared>>
        tpu.wait_indirect_dma semaphore(%run_scoped3A : memref<!tpu.dma_semaphore, #tpu.memory_space<semaphore_mem>>) src(%arg9 : memref<128x128xf32, #tpu.memory_space<vmem>>) dst(%dma_wait3A_42 : memref<10240x128xf32, #tpu.memory_space<vmem_shared>>)
        tpu.yield
      }) : () -> ()
    }
    %scan3A_11 = arith.constant 80 : i32
    %barrier3A_12 = arith.constant 0 : index
    tpu.barrier barrier_id(%barrier3A_12)
    %eq3A = arith.constant 0 : i32
    %eq3A_13 = arith.cmpi eq, %arg0, %eq3A : i32
    %convert_element_type3A = arith.extui %eq3A_13 : i1 to i32
    %cond3A = arith.constant 0 : i32
    %cond3A_14 = arith.cmpi ne, %convert_element_type3A, %cond3A : i32
    scf.if %cond3A_14 {
      "tpu.region"() ({
        %run_scoped3A = tpu.sem_alloc : memref<!tpu.dma_semaphore, #tpu.memory_space<semaphore_mem>>
        %dma_start3A = arith.constant 0 : i32
        %dma_start3A_20 = tpu.memref_slice %arg5[%mul3A_2, %dma_start3A] : memref<10240x128xf32, #tpu.memory_space<hbm>> -> memref<640x128xf32, #tpu.memory_space<hbm>>
        %dma_start3A_21 = arith.constant 0 : i32
        %dma_start3A_22 = tpu.memref_slice %arg10[%mul3A_2, %dma_start3A_21] : memref<10240x128xf32, #tpu.memory_space<vmem_shared>> -> memref<640x128xf32, #tpu.memory_space<vmem_shared>>
        tpu.enqueue_dma source(%dma_start3A_22 : memref<640x128xf32, #tpu.memory_space<vmem_shared>>) target(%dma_start3A_20 : memref<640x128xf32, #tpu.memory_space<hbm>>) target_semaphore(%run_scoped3A : memref<!tpu.dma_semaphore, #tpu.memory_space<semaphore_mem>>)
        %dma_wait3A = arith.constant 0 : i32
        %dma_wait3A_23 = tpu.memref_slice %arg5[%mul3A_2, %dma_wait3A] : memref<10240x128xf32, #tpu.memory_space<hbm>> -> memref<640x128xf32, #tpu.memory_space<hbm>>
        %dma_wait3A_24 = arith.constant 0 : i32
        %dma_wait3A_25 = tpu.memref_slice %arg10[%mul3A_2, %dma_wait3A_24] : memref<10240x128xf32, #tpu.memory_space<vmem_shared>> -> memref<640x128xf32, #tpu.memory_space<vmem_shared>>
        tpu.wait_dma2 semaphore(%run_scoped3A : memref<!tpu.dma_semaphore, #tpu.memory_space<semaphore_mem>>) src(%dma_wait3A_25 : memref<640x128xf32, #tpu.memory_space<vmem_shared>>) dst(%dma_wait3A_23 : memref<640x128xf32, #tpu.memory_space<hbm>>)
        tpu.yield
      }) : () -> ()
    } else {
    }
    %eq3A_15 = arith.constant 1 : i32
    %eq3A_16 = arith.cmpi eq, %arg0, %eq3A_15 : i32
    %convert_element_type3A_17 = arith.extui %eq3A_16 : i1 to i32
    %cond3A_18 = arith.constant 0 : i32
    %cond3A_19 = arith.cmpi ne, %convert_element_type3A_17, %cond3A_18 : i32
    scf.if %cond3A_19 {
      "tpu.region"() ({
        %run_scoped3A = tpu.sem_alloc : memref<!tpu.dma_semaphore, #tpu.memory_space<semaphore_mem>>
        %dma_start3A = arith.constant 0 : i32
        %dma_start3A_20 = tpu.memref_slice %arg6[%mul3A_2, %dma_start3A] : memref<10240x128xf32, #tpu.memory_space<hbm>> -> memref<640x128xf32, #tpu.memory_space<hbm>>
        %dma_start3A_21 = arith.constant 0 : i32
        %dma_start3A_22 = tpu.memref_slice %arg10[%mul3A_2, %dma_start3A_21] : memref<10240x128xf32, #tpu.memory_space<vmem_shared>> -> memref<640x128xf32, #tpu.memory_space<vmem_shared>>
        tpu.enqueue_dma source(%dma_start3A_22 : memref<640x128xf32, #tpu.memory_space<vmem_shared>>) target(%dma_start3A_20 : memref<640x128xf32, #tpu.memory_space<hbm>>) target_semaphore(%run_scoped3A : memref<!tpu.dma_semaphore, #tpu.memory_space<semaphore_mem>>)
        %dma_wait3A = arith.constant 0 : i32
        %dma_wait3A_23 = tpu.memref_slice %arg6[%mul3A_2, %dma_wait3A] : memref<10240x128xf32, #tpu.memory_space<hbm>> -> memref<640x128xf32, #tpu.memory_space<hbm>>
        %dma_wait3A_24 = arith.constant 0 : i32
        %dma_wait3A_25 = tpu.memref_slice %arg10[%mul3A_2, %dma_wait3A_24] : memref<10240x128xf32, #tpu.memory_space<vmem_shared>> -> memref<640x128xf32, #tpu.memory_space<vmem_shared>>
        tpu.wait_dma2 semaphore(%run_scoped3A : memref<!tpu.dma_semaphore, #tpu.memory_space<semaphore_mem>>) src(%dma_wait3A_25 : memref<640x128xf32, #tpu.memory_space<vmem_shared>>) dst(%dma_wait3A_23 : memref<640x128xf32, #tpu.memory_space<hbm>>)
        tpu.yield
      }) : () -> ()
    } else {
    }
    return
  }
}

#map = affine_map<(d0, d1) -> (0, 0)>
module attributes {stable_mosaic.version = 14 : i64} {
  func.func @deg_kernel(%arg0: i32, %arg1: i32, %arg2: memref<2560x128xi32, #tpu.memory_space<hbm>>, %arg3: memref<128x16xf32, #tpu.memory_space<hbm>>, %arg4: memref<10240x16xf32, #tpu.memory_space<hbm>>, %arg5: memref<10240x16xf32, #tpu.memory_space<hbm>>, %arg6: memref<10240x16xf32, #tpu.memory_space<hbm>>, %arg7: memref<80x128xi32, #tpu.memory_space<vmem>>, %arg8: memref<128x16xf32, #tpu.memory_space<vmem>>, %arg9: memref<10240x16xf32, #tpu.memory_space<vmem_shared>>) attributes {dimension_semantics = [#tpu.dimension_semantics<core_parallel>, #tpu.dimension_semantics<subcore_parallel>], iteration_bounds = array<i64: 2, 16>, scalar_prefetch = 0 : i64, scratch_operands = 3 : i64, tpu.core_type = #tpu.core_type<sc_vector_subcore>, window_params = [{transform_indices = #map}, {transform_indices = #map}, {transform_indices = #map}, {transform_indices = #map}, {transform_indices = #map}]} {
    %mul3A = arith.constant 16 : i32
    %mul3A_0 = arith.muli %arg0, %mul3A : i32
    %add3A = arith.addi %mul3A_0, %arg1 : i32
    %mul3A_1 = arith.constant 640 : i32
    %mul3A_2 = arith.muli %arg1, %mul3A_1 : i32
    "tpu.region"() ({
      %run_scoped3A = tpu.sem_alloc : memref<!tpu.dma_semaphore, #tpu.memory_space<semaphore_mem>>
      %dma_start3A = arith.constant 0 : i32
      %dma_start3A_18 = tpu.memref_slice %arg9[%mul3A_2, %dma_start3A] : memref<10240x16xf32, #tpu.memory_space<vmem_shared>> -> memref<640x16xf32, #tpu.memory_space<vmem_shared>>
      %dma_start3A_19 = arith.constant 0 : i32
      %dma_start3A_20 = tpu.memref_slice %arg4[%mul3A_2, %dma_start3A_19] : memref<10240x16xf32, #tpu.memory_space<hbm>> -> memref<640x16xf32, #tpu.memory_space<hbm>>
      tpu.enqueue_dma source(%dma_start3A_20 : memref<640x16xf32, #tpu.memory_space<hbm>>) target(%dma_start3A_18 : memref<640x16xf32, #tpu.memory_space<vmem_shared>>) target_semaphore(%run_scoped3A : memref<!tpu.dma_semaphore, #tpu.memory_space<semaphore_mem>>)
      %dma_wait3A = arith.constant 0 : i32
      %dma_wait3A_21 = tpu.memref_slice %arg9[%mul3A_2, %dma_wait3A] : memref<10240x16xf32, #tpu.memory_space<vmem_shared>> -> memref<640x16xf32, #tpu.memory_space<vmem_shared>>
      %dma_wait3A_22 = arith.constant 0 : i32
      %dma_wait3A_23 = tpu.memref_slice %arg4[%mul3A_2, %dma_wait3A_22] : memref<10240x16xf32, #tpu.memory_space<hbm>> -> memref<640x16xf32, #tpu.memory_space<hbm>>
      tpu.wait_dma2 semaphore(%run_scoped3A : memref<!tpu.dma_semaphore, #tpu.memory_space<semaphore_mem>>) src(%dma_wait3A_23 : memref<640x16xf32, #tpu.memory_space<hbm>>) dst(%dma_wait3A_21 : memref<640x16xf32, #tpu.memory_space<vmem_shared>>)
      tpu.yield
    }) : () -> ()
    "tpu.region"() ({
      %run_scoped3A = tpu.sem_alloc : memref<!tpu.dma_semaphore, #tpu.memory_space<semaphore_mem>>
      tpu.enqueue_dma source(%arg3 : memref<128x16xf32, #tpu.memory_space<hbm>>) target(%arg8 : memref<128x16xf32, #tpu.memory_space<vmem>>) target_semaphore(%run_scoped3A : memref<!tpu.dma_semaphore, #tpu.memory_space<semaphore_mem>>)
      tpu.wait_dma2 semaphore(%run_scoped3A : memref<!tpu.dma_semaphore, #tpu.memory_space<semaphore_mem>>) src(%arg3 : memref<128x16xf32, #tpu.memory_space<hbm>>) dst(%arg8 : memref<128x16xf32, #tpu.memory_space<vmem>>)
      tpu.yield
    }) : () -> ()
    %mul3A_3 = arith.constant 80 : i32
    %mul3A_4 = arith.muli %add3A, %mul3A_3 : i32
    "tpu.region"() ({
      %run_scoped3A = tpu.sem_alloc : memref<!tpu.dma_semaphore, #tpu.memory_space<semaphore_mem>>
      %dma_start3A = arith.constant 0 : i32
      %dma_start3A_18 = tpu.memref_slice %arg2[%mul3A_4, %dma_start3A] : memref<2560x128xi32, #tpu.memory_space<hbm>> -> memref<80x128xi32, #tpu.memory_space<hbm>>
      %dma_start3A_19 = arith.constant 0 : i32
      %dma_start3A_20 = tpu.memref_slice %arg2[%mul3A_4, %dma_start3A_19] : memref<2560x128xi32, #tpu.memory_space<hbm>> -> memref<80x128xi32, #tpu.memory_space<hbm>>
      tpu.enqueue_dma source(%dma_start3A_20 : memref<80x128xi32, #tpu.memory_space<hbm>>) target(%arg7 : memref<80x128xi32, #tpu.memory_space<vmem>>) target_semaphore(%run_scoped3A : memref<!tpu.dma_semaphore, #tpu.memory_space<semaphore_mem>>)
      %dma_wait3A = arith.constant 0 : i32
      %dma_wait3A_21 = tpu.memref_slice %arg2[%mul3A_4, %dma_wait3A] : memref<2560x128xi32, #tpu.memory_space<hbm>> -> memref<80x128xi32, #tpu.memory_space<hbm>>
      %dma_wait3A_22 = arith.constant 0 : i32
      %dma_wait3A_23 = tpu.memref_slice %arg2[%mul3A_4, %dma_wait3A_22] : memref<2560x128xi32, #tpu.memory_space<hbm>> -> memref<80x128xi32, #tpu.memory_space<hbm>>
      tpu.wait_dma2 semaphore(%run_scoped3A : memref<!tpu.dma_semaphore, #tpu.memory_space<semaphore_mem>>) src(%dma_wait3A_23 : memref<80x128xi32, #tpu.memory_space<hbm>>) dst(%arg7 : memref<80x128xi32, #tpu.memory_space<vmem>>)
      tpu.yield
    }) : () -> ()
    %barrier3A = arith.constant 0 : index
    tpu.barrier barrier_id(%barrier3A)
    %scan3A = arith.constant 0 : i32
    %scan3A_5 = arith.constant 0 : i32
    %scan3A_6 = arith.constant 80 : i32
    %scan3A_7 = arith.addi %scan3A_5, %scan3A_6 : i32
    %scan3A_8 = arith.constant 1 : i32
    scf.for %scan3A_18 = %scan3A_5 to %scan3A_7 step %scan3A_8  : i32 {
      "tpu.region"() ({
        %run_scoped3A = tpu.sem_alloc : memref<!tpu.dma_semaphore, #tpu.memory_space<semaphore_mem>>
        %dma_start3A = arith.constant 0 : i32
        %dma_start3A_19 = tpu.memref_slice %arg7[%scan3A_18, %dma_start3A] : memref<80x128xi32, #tpu.memory_space<vmem>> -> memref<1x128xi32, #tpu.memory_space<vmem>>
        %dma_start3A_20 = tpu.memref_squeeze %dma_start3A_19 : memref<1x128xi32, #tpu.memory_space<vmem>> -> memref<128xi32, #tpu.memory_space<vmem>>
        %dma_start3A_21 = arith.constant 0 : i32
        %dma_start3A_22 = arith.constant 0 : i32
        %dma_start3A_23 = tpu.memref_slice %arg9[%dma_start3A_21, %dma_start3A_22] : memref<10240x16xf32, #tpu.memory_space<vmem_shared>> -> memref<10240x16xf32, #tpu.memory_space<vmem_shared>>
        tpu.enqueue_indirect_dma source(%arg8 : memref<128x16xf32, #tpu.memory_space<vmem>>) target(%dma_start3A_23 : memref<10240x16xf32, #tpu.memory_space<vmem_shared>>) offsets(%dma_start3A_20 : memref<128xi32, #tpu.memory_space<vmem>>) semaphore(%run_scoped3A : memref<!tpu.dma_semaphore, #tpu.memory_space<semaphore_mem>>) {add = true}
        %dma_wait3A = arith.constant 0 : i32
        %dma_wait3A_24 = tpu.memref_slice %arg7[%scan3A_18, %dma_wait3A] : memref<80x128xi32, #tpu.memory_space<vmem>> -> memref<1x128xi32, #tpu.memory_space<vmem>>
        %dma_wait3A_25 = tpu.memref_squeeze %dma_wait3A_24 : memref<1x128xi32, #tpu.memory_space<vmem>> -> memref<128xi32, #tpu.memory_space<vmem>>
        %dma_wait3A_26 = arith.constant 0 : i32
        %dma_wait3A_27 = arith.constant 0 : i32
        %dma_wait3A_28 = tpu.memref_slice %arg9[%dma_wait3A_26, %dma_wait3A_27] : memref<10240x16xf32, #tpu.memory_space<vmem_shared>> -> memref<10240x16xf32, #tpu.memory_space<vmem_shared>>
        tpu.wait_indirect_dma semaphore(%run_scoped3A : memref<!tpu.dma_semaphore, #tpu.memory_space<semaphore_mem>>) src(%arg8 : memref<128x16xf32, #tpu.memory_space<vmem>>) dst(%dma_wait3A_28 : memref<10240x16xf32, #tpu.memory_space<vmem_shared>>)
        tpu.yield
      }) : () -> ()
    }
    %scan3A_9 = arith.constant 80 : i32
    %barrier3A_10 = arith.constant 0 : index
    tpu.barrier barrier_id(%barrier3A_10)
    %eq3A = arith.constant 0 : i32
    %eq3A_11 = arith.cmpi eq, %arg0, %eq3A : i32
    %convert_element_type3A = arith.extui %eq3A_11 : i1 to i32
    %cond3A = arith.constant 0 : i32
    %cond3A_12 = arith.cmpi ne, %convert_element_type3A, %cond3A : i32
    scf.if %cond3A_12 {
      "tpu.region"() ({
        %run_scoped3A = tpu.sem_alloc : memref<!tpu.dma_semaphore, #tpu.memory_space<semaphore_mem>>
        %dma_start3A = arith.constant 0 : i32
        %dma_start3A_18 = tpu.memref_slice %arg5[%mul3A_2, %dma_start3A] : memref<10240x16xf32, #tpu.memory_space<hbm>> -> memref<640x16xf32, #tpu.memory_space<hbm>>
        %dma_start3A_19 = arith.constant 0 : i32
        %dma_start3A_20 = tpu.memref_slice %arg9[%mul3A_2, %dma_start3A_19] : memref<10240x16xf32, #tpu.memory_space<vmem_shared>> -> memref<640x16xf32, #tpu.memory_space<vmem_shared>>
        tpu.enqueue_dma source(%dma_start3A_20 : memref<640x16xf32, #tpu.memory_space<vmem_shared>>) target(%dma_start3A_18 : memref<640x16xf32, #tpu.memory_space<hbm>>) target_semaphore(%run_scoped3A : memref<!tpu.dma_semaphore, #tpu.memory_space<semaphore_mem>>)
        %dma_wait3A = arith.constant 0 : i32
        %dma_wait3A_21 = tpu.memref_slice %arg5[%mul3A_2, %dma_wait3A] : memref<10240x16xf32, #tpu.memory_space<hbm>> -> memref<640x16xf32, #tpu.memory_space<hbm>>
        %dma_wait3A_22 = arith.constant 0 : i32
        %dma_wait3A_23 = tpu.memref_slice %arg9[%mul3A_2, %dma_wait3A_22] : memref<10240x16xf32, #tpu.memory_space<vmem_shared>> -> memref<640x16xf32, #tpu.memory_space<vmem_shared>>
        tpu.wait_dma2 semaphore(%run_scoped3A : memref<!tpu.dma_semaphore, #tpu.memory_space<semaphore_mem>>) src(%dma_wait3A_23 : memref<640x16xf32, #tpu.memory_space<vmem_shared>>) dst(%dma_wait3A_21 : memref<640x16xf32, #tpu.memory_space<hbm>>)
        tpu.yield
      }) : () -> ()
    } else {
    }
    %eq3A_13 = arith.constant 1 : i32
    %eq3A_14 = arith.cmpi eq, %arg0, %eq3A_13 : i32
    %convert_element_type3A_15 = arith.extui %eq3A_14 : i1 to i32
    %cond3A_16 = arith.constant 0 : i32
    %cond3A_17 = arith.cmpi ne, %convert_element_type3A_15, %cond3A_16 : i32
    scf.if %cond3A_17 {
      "tpu.region"() ({
        %run_scoped3A = tpu.sem_alloc : memref<!tpu.dma_semaphore, #tpu.memory_space<semaphore_mem>>
        %dma_start3A = arith.constant 0 : i32
        %dma_start3A_18 = tpu.memref_slice %arg6[%mul3A_2, %dma_start3A] : memref<10240x16xf32, #tpu.memory_space<hbm>> -> memref<640x16xf32, #tpu.memory_space<hbm>>
        %dma_start3A_19 = arith.constant 0 : i32
        %dma_start3A_20 = tpu.memref_slice %arg9[%mul3A_2, %dma_start3A_19] : memref<10240x16xf32, #tpu.memory_space<vmem_shared>> -> memref<640x16xf32, #tpu.memory_space<vmem_shared>>
        tpu.enqueue_dma source(%dma_start3A_20 : memref<640x16xf32, #tpu.memory_space<vmem_shared>>) target(%dma_start3A_18 : memref<640x16xf32, #tpu.memory_space<hbm>>) target_semaphore(%run_scoped3A : memref<!tpu.dma_semaphore, #tpu.memory_space<semaphore_mem>>)
        %dma_wait3A = arith.constant 0 : i32
        %dma_wait3A_21 = tpu.memref_slice %arg6[%mul3A_2, %dma_wait3A] : memref<10240x16xf32, #tpu.memory_space<hbm>> -> memref<640x16xf32, #tpu.memory_space<hbm>>
        %dma_wait3A_22 = arith.constant 0 : i32
        %dma_wait3A_23 = tpu.memref_slice %arg9[%mul3A_2, %dma_wait3A_22] : memref<10240x16xf32, #tpu.memory_space<vmem_shared>> -> memref<640x16xf32, #tpu.memory_space<vmem_shared>>
        tpu.wait_dma2 semaphore(%run_scoped3A : memref<!tpu.dma_semaphore, #tpu.memory_space<semaphore_mem>>) src(%dma_wait3A_23 : memref<640x16xf32, #tpu.memory_space<vmem_shared>>) dst(%dma_wait3A_21 : memref<640x16xf32, #tpu.memory_space<hbm>>)
        tpu.yield
      }) : () -> ()
    } else {
    }
    return
  }
}

#map = affine_map<(d0, d1) -> (0, 0)>
module attributes {stable_mosaic.version = 14 : i64} {
  func.func @agg_kernel(%arg0: i32, %arg1: i32, %arg2: memref<10240x64xf32, #tpu.memory_space<hbm>>, %arg3: memref<2560x128xi32, #tpu.memory_space<hbm>>, %arg4: memref<2560x128xi32, #tpu.memory_space<hbm>>, %arg5: memref<10240x64xf32, #tpu.memory_space<hbm>>, %arg6: memref<10240x64xf32, #tpu.memory_space<hbm>>, %arg7: memref<80x128xi32, #tpu.memory_space<vmem>>, %arg8: memref<80x128xi32, #tpu.memory_space<vmem>>, %arg9: memref<128x64xf32, #tpu.memory_space<vmem>>, %arg10: memref<10240x64xf32, #tpu.memory_space<vmem_shared>>, %arg11: memref<!tpu.dma_semaphore, #tpu.memory_space<semaphore_mem>>) attributes {dimension_semantics = [#tpu.dimension_semantics<core_parallel>, #tpu.dimension_semantics<subcore_parallel>], iteration_bounds = array<i64: 2, 16>, scalar_prefetch = 0 : i64, scratch_operands = 5 : i64, tpu.core_type = #tpu.core_type<sc_vector_subcore>, window_params = [{transform_indices = #map}, {transform_indices = #map}, {transform_indices = #map}, {transform_indices = #map}, {transform_indices = #map}]} {
    %mul3A = arith.constant 16 : i32
    %mul3A_0 = arith.muli %arg0, %mul3A : i32
    %add3A = arith.addi %mul3A_0, %arg1 : i32
    %mul3A_1 = arith.constant 640 : i32
    %mul3A_2 = arith.muli %arg1, %mul3A_1 : i32
    "tpu.region"() ({
      %run_scoped3A = tpu.sem_alloc : memref<!tpu.dma_semaphore, #tpu.memory_space<semaphore_mem>>
      %dma_start3A = arith.constant 0 : i32
      %dma_start3A_20 = tpu.memref_slice %arg10[%mul3A_2, %dma_start3A] : memref<10240x64xf32, #tpu.memory_space<vmem_shared>> -> memref<640x64xf32, #tpu.memory_space<vmem_shared>>
      %dma_start3A_21 = arith.constant 0 : i32
      %dma_start3A_22 = tpu.memref_slice %arg2[%mul3A_2, %dma_start3A_21] : memref<10240x64xf32, #tpu.memory_space<hbm>> -> memref<640x64xf32, #tpu.memory_space<hbm>>
      tpu.enqueue_dma source(%dma_start3A_22 : memref<640x64xf32, #tpu.memory_space<hbm>>) target(%dma_start3A_20 : memref<640x64xf32, #tpu.memory_space<vmem_shared>>) target_semaphore(%run_scoped3A : memref<!tpu.dma_semaphore, #tpu.memory_space<semaphore_mem>>)
      %dma_wait3A = arith.constant 0 : i32
      %dma_wait3A_23 = tpu.memref_slice %arg10[%mul3A_2, %dma_wait3A] : memref<10240x64xf32, #tpu.memory_space<vmem_shared>> -> memref<640x64xf32, #tpu.memory_space<vmem_shared>>
      %dma_wait3A_24 = arith.constant 0 : i32
      %dma_wait3A_25 = tpu.memref_slice %arg2[%mul3A_2, %dma_wait3A_24] : memref<10240x64xf32, #tpu.memory_space<hbm>> -> memref<640x64xf32, #tpu.memory_space<hbm>>
      tpu.wait_dma2 semaphore(%run_scoped3A : memref<!tpu.dma_semaphore, #tpu.memory_space<semaphore_mem>>) src(%dma_wait3A_25 : memref<640x64xf32, #tpu.memory_space<hbm>>) dst(%dma_wait3A_23 : memref<640x64xf32, #tpu.memory_space<vmem_shared>>)
      tpu.yield
    }) : () -> ()
    %mul3A_3 = arith.constant 80 : i32
    %mul3A_4 = arith.muli %add3A, %mul3A_3 : i32
    "tpu.region"() ({
      %run_scoped3A = tpu.sem_alloc : memref<!tpu.dma_semaphore, #tpu.memory_space<semaphore_mem>>
      %dma_start3A = arith.constant 0 : i32
      %dma_start3A_20 = tpu.memref_slice %arg3[%mul3A_4, %dma_start3A] : memref<2560x128xi32, #tpu.memory_space<hbm>> -> memref<80x128xi32, #tpu.memory_space<hbm>>
      %dma_start3A_21 = arith.constant 0 : i32
      %dma_start3A_22 = tpu.memref_slice %arg3[%mul3A_4, %dma_start3A_21] : memref<2560x128xi32, #tpu.memory_space<hbm>> -> memref<80x128xi32, #tpu.memory_space<hbm>>
      tpu.enqueue_dma source(%dma_start3A_22 : memref<80x128xi32, #tpu.memory_space<hbm>>) target(%arg7 : memref<80x128xi32, #tpu.memory_space<vmem>>) target_semaphore(%run_scoped3A : memref<!tpu.dma_semaphore, #tpu.memory_space<semaphore_mem>>)
      %dma_wait3A = arith.constant 0 : i32
      %dma_wait3A_23 = tpu.memref_slice %arg3[%mul3A_4, %dma_wait3A] : memref<2560x128xi32, #tpu.memory_space<hbm>> -> memref<80x128xi32, #tpu.memory_space<hbm>>
      %dma_wait3A_24 = arith.constant 0 : i32
      %dma_wait3A_25 = tpu.memref_slice %arg3[%mul3A_4, %dma_wait3A_24] : memref<2560x128xi32, #tpu.memory_space<hbm>> -> memref<80x128xi32, #tpu.memory_space<hbm>>
      tpu.wait_dma2 semaphore(%run_scoped3A : memref<!tpu.dma_semaphore, #tpu.memory_space<semaphore_mem>>) src(%dma_wait3A_25 : memref<80x128xi32, #tpu.memory_space<hbm>>) dst(%arg7 : memref<80x128xi32, #tpu.memory_space<vmem>>)
      tpu.yield
    }) : () -> ()
    %mul3A_5 = arith.constant 80 : i32
    %mul3A_6 = arith.muli %add3A, %mul3A_5 : i32
    "tpu.region"() ({
      %run_scoped3A = tpu.sem_alloc : memref<!tpu.dma_semaphore, #tpu.memory_space<semaphore_mem>>
      %dma_start3A = arith.constant 0 : i32
      %dma_start3A_20 = tpu.memref_slice %arg4[%mul3A_6, %dma_start3A] : memref<2560x128xi32, #tpu.memory_space<hbm>> -> memref<80x128xi32, #tpu.memory_space<hbm>>
      %dma_start3A_21 = arith.constant 0 : i32
      %dma_start3A_22 = tpu.memref_slice %arg4[%mul3A_6, %dma_start3A_21] : memref<2560x128xi32, #tpu.memory_space<hbm>> -> memref<80x128xi32, #tpu.memory_space<hbm>>
      tpu.enqueue_dma source(%dma_start3A_22 : memref<80x128xi32, #tpu.memory_space<hbm>>) target(%arg8 : memref<80x128xi32, #tpu.memory_space<vmem>>) target_semaphore(%run_scoped3A : memref<!tpu.dma_semaphore, #tpu.memory_space<semaphore_mem>>)
      %dma_wait3A = arith.constant 0 : i32
      %dma_wait3A_23 = tpu.memref_slice %arg4[%mul3A_6, %dma_wait3A] : memref<2560x128xi32, #tpu.memory_space<hbm>> -> memref<80x128xi32, #tpu.memory_space<hbm>>
      %dma_wait3A_24 = arith.constant 0 : i32
      %dma_wait3A_25 = tpu.memref_slice %arg4[%mul3A_6, %dma_wait3A_24] : memref<2560x128xi32, #tpu.memory_space<hbm>> -> memref<80x128xi32, #tpu.memory_space<hbm>>
      tpu.wait_dma2 semaphore(%run_scoped3A : memref<!tpu.dma_semaphore, #tpu.memory_space<semaphore_mem>>) src(%dma_wait3A_25 : memref<80x128xi32, #tpu.memory_space<hbm>>) dst(%arg8 : memref<80x128xi32, #tpu.memory_space<vmem>>)
      tpu.yield
    }) : () -> ()
    %barrier3A = arith.constant 0 : index
    tpu.barrier barrier_id(%barrier3A)
    %scan3A = arith.constant 0 : i32
    %scan3A_7 = arith.constant 0 : i32
    %scan3A_8 = arith.constant 80 : i32
    %scan3A_9 = arith.addi %scan3A_7, %scan3A_8 : i32
    %scan3A_10 = arith.constant 1 : i32
    scf.for %scan3A_20 = %scan3A_7 to %scan3A_9 step %scan3A_10  : i32 {
      %dma_start3A = arith.constant 0 : i32
      %dma_start3A_21 = tpu.memref_slice %arg7[%scan3A_20, %dma_start3A] : memref<80x128xi32, #tpu.memory_space<vmem>> -> memref<1x128xi32, #tpu.memory_space<vmem>>
      %dma_start3A_22 = tpu.memref_squeeze %dma_start3A_21 : memref<1x128xi32, #tpu.memory_space<vmem>> -> memref<128xi32, #tpu.memory_space<vmem>>
      %dma_start3A_23 = arith.constant 0 : i32
      %dma_start3A_24 = arith.constant 0 : i32
      %dma_start3A_25 = tpu.memref_slice %arg2[%dma_start3A_23, %dma_start3A_24] : memref<10240x64xf32, #tpu.memory_space<hbm>> -> memref<10240x64xf32, #tpu.memory_space<hbm>>
      tpu.enqueue_indirect_dma source(%dma_start3A_25 : memref<10240x64xf32, #tpu.memory_space<hbm>>) target(%arg9 : memref<128x64xf32, #tpu.memory_space<vmem>>) offsets(%dma_start3A_22 : memref<128xi32, #tpu.memory_space<vmem>>) semaphore(%arg11 : memref<!tpu.dma_semaphore, #tpu.memory_space<semaphore_mem>>)
      %dma_wait3A = arith.constant 0 : i32
      %dma_wait3A_26 = tpu.memref_slice %arg7[%scan3A_20, %dma_wait3A] : memref<80x128xi32, #tpu.memory_space<vmem>> -> memref<1x128xi32, #tpu.memory_space<vmem>>
      %dma_wait3A_27 = tpu.memref_squeeze %dma_wait3A_26 : memref<1x128xi32, #tpu.memory_space<vmem>> -> memref<128xi32, #tpu.memory_space<vmem>>
      %dma_wait3A_28 = arith.constant 0 : i32
      %dma_wait3A_29 = arith.constant 0 : i32
      %dma_wait3A_30 = tpu.memref_slice %arg2[%dma_wait3A_28, %dma_wait3A_29] : memref<10240x64xf32, #tpu.memory_space<hbm>> -> memref<10240x64xf32, #tpu.memory_space<hbm>>
      tpu.wait_indirect_dma semaphore(%arg11 : memref<!tpu.dma_semaphore, #tpu.memory_space<semaphore_mem>>) src(%dma_wait3A_30 : memref<10240x64xf32, #tpu.memory_space<hbm>>) dst(%arg9 : memref<128x64xf32, #tpu.memory_space<vmem>>)
      "tpu.region"() ({
        %run_scoped3A = tpu.sem_alloc : memref<!tpu.dma_semaphore, #tpu.memory_space<semaphore_mem>>
        %dma_start3A_31 = arith.constant 0 : i32
        %dma_start3A_32 = tpu.memref_slice %arg8[%scan3A_20, %dma_start3A_31] : memref<80x128xi32, #tpu.memory_space<vmem>> -> memref<1x128xi32, #tpu.memory_space<vmem>>
        %dma_start3A_33 = tpu.memref_squeeze %dma_start3A_32 : memref<1x128xi32, #tpu.memory_space<vmem>> -> memref<128xi32, #tpu.memory_space<vmem>>
        %dma_start3A_34 = arith.constant 0 : i32
        %dma_start3A_35 = arith.constant 0 : i32
        %dma_start3A_36 = tpu.memref_slice %arg10[%dma_start3A_34, %dma_start3A_35] : memref<10240x64xf32, #tpu.memory_space<vmem_shared>> -> memref<10240x64xf32, #tpu.memory_space<vmem_shared>>
        tpu.enqueue_indirect_dma source(%arg9 : memref<128x64xf32, #tpu.memory_space<vmem>>) target(%dma_start3A_36 : memref<10240x64xf32, #tpu.memory_space<vmem_shared>>) offsets(%dma_start3A_33 : memref<128xi32, #tpu.memory_space<vmem>>) semaphore(%run_scoped3A : memref<!tpu.dma_semaphore, #tpu.memory_space<semaphore_mem>>) {add = true}
        %dma_wait3A_37 = arith.constant 0 : i32
        %dma_wait3A_38 = tpu.memref_slice %arg8[%scan3A_20, %dma_wait3A_37] : memref<80x128xi32, #tpu.memory_space<vmem>> -> memref<1x128xi32, #tpu.memory_space<vmem>>
        %dma_wait3A_39 = tpu.memref_squeeze %dma_wait3A_38 : memref<1x128xi32, #tpu.memory_space<vmem>> -> memref<128xi32, #tpu.memory_space<vmem>>
        %dma_wait3A_40 = arith.constant 0 : i32
        %dma_wait3A_41 = arith.constant 0 : i32
        %dma_wait3A_42 = tpu.memref_slice %arg10[%dma_wait3A_40, %dma_wait3A_41] : memref<10240x64xf32, #tpu.memory_space<vmem_shared>> -> memref<10240x64xf32, #tpu.memory_space<vmem_shared>>
        tpu.wait_indirect_dma semaphore(%run_scoped3A : memref<!tpu.dma_semaphore, #tpu.memory_space<semaphore_mem>>) src(%arg9 : memref<128x64xf32, #tpu.memory_space<vmem>>) dst(%dma_wait3A_42 : memref<10240x64xf32, #tpu.memory_space<vmem_shared>>)
        tpu.yield
      }) : () -> ()
    }
    %scan3A_11 = arith.constant 80 : i32
    %barrier3A_12 = arith.constant 0 : index
    tpu.barrier barrier_id(%barrier3A_12)
    %eq3A = arith.constant 0 : i32
    %eq3A_13 = arith.cmpi eq, %arg0, %eq3A : i32
    %convert_element_type3A = arith.extui %eq3A_13 : i1 to i32
    %cond3A = arith.constant 0 : i32
    %cond3A_14 = arith.cmpi ne, %convert_element_type3A, %cond3A : i32
    scf.if %cond3A_14 {
      "tpu.region"() ({
        %run_scoped3A = tpu.sem_alloc : memref<!tpu.dma_semaphore, #tpu.memory_space<semaphore_mem>>
        %dma_start3A = arith.constant 0 : i32
        %dma_start3A_20 = tpu.memref_slice %arg5[%mul3A_2, %dma_start3A] : memref<10240x64xf32, #tpu.memory_space<hbm>> -> memref<640x64xf32, #tpu.memory_space<hbm>>
        %dma_start3A_21 = arith.constant 0 : i32
        %dma_start3A_22 = tpu.memref_slice %arg10[%mul3A_2, %dma_start3A_21] : memref<10240x64xf32, #tpu.memory_space<vmem_shared>> -> memref<640x64xf32, #tpu.memory_space<vmem_shared>>
        tpu.enqueue_dma source(%dma_start3A_22 : memref<640x64xf32, #tpu.memory_space<vmem_shared>>) target(%dma_start3A_20 : memref<640x64xf32, #tpu.memory_space<hbm>>) target_semaphore(%run_scoped3A : memref<!tpu.dma_semaphore, #tpu.memory_space<semaphore_mem>>)
        %dma_wait3A = arith.constant 0 : i32
        %dma_wait3A_23 = tpu.memref_slice %arg5[%mul3A_2, %dma_wait3A] : memref<10240x64xf32, #tpu.memory_space<hbm>> -> memref<640x64xf32, #tpu.memory_space<hbm>>
        %dma_wait3A_24 = arith.constant 0 : i32
        %dma_wait3A_25 = tpu.memref_slice %arg10[%mul3A_2, %dma_wait3A_24] : memref<10240x64xf32, #tpu.memory_space<vmem_shared>> -> memref<640x64xf32, #tpu.memory_space<vmem_shared>>
        tpu.wait_dma2 semaphore(%run_scoped3A : memref<!tpu.dma_semaphore, #tpu.memory_space<semaphore_mem>>) src(%dma_wait3A_25 : memref<640x64xf32, #tpu.memory_space<vmem_shared>>) dst(%dma_wait3A_23 : memref<640x64xf32, #tpu.memory_space<hbm>>)
        tpu.yield
      }) : () -> ()
    } else {
    }
    %eq3A_15 = arith.constant 1 : i32
    %eq3A_16 = arith.cmpi eq, %arg0, %eq3A_15 : i32
    %convert_element_type3A_17 = arith.extui %eq3A_16 : i1 to i32
    %cond3A_18 = arith.constant 0 : i32
    %cond3A_19 = arith.cmpi ne, %convert_element_type3A_17, %cond3A_18 : i32
    scf.if %cond3A_19 {
      "tpu.region"() ({
        %run_scoped3A = tpu.sem_alloc : memref<!tpu.dma_semaphore, #tpu.memory_space<semaphore_mem>>
        %dma_start3A = arith.constant 0 : i32
        %dma_start3A_20 = tpu.memref_slice %arg6[%mul3A_2, %dma_start3A] : memref<10240x64xf32, #tpu.memory_space<hbm>> -> memref<640x64xf32, #tpu.memory_space<hbm>>
        %dma_start3A_21 = arith.constant 0 : i32
        %dma_start3A_22 = tpu.memref_slice %arg10[%mul3A_2, %dma_start3A_21] : memref<10240x64xf32, #tpu.memory_space<vmem_shared>> -> memref<640x64xf32, #tpu.memory_space<vmem_shared>>
        tpu.enqueue_dma source(%dma_start3A_22 : memref<640x64xf32, #tpu.memory_space<vmem_shared>>) target(%dma_start3A_20 : memref<640x64xf32, #tpu.memory_space<hbm>>) target_semaphore(%run_scoped3A : memref<!tpu.dma_semaphore, #tpu.memory_space<semaphore_mem>>)
        %dma_wait3A = arith.constant 0 : i32
        %dma_wait3A_23 = tpu.memref_slice %arg6[%mul3A_2, %dma_wait3A] : memref<10240x64xf32, #tpu.memory_space<hbm>> -> memref<640x64xf32, #tpu.memory_space<hbm>>
        %dma_wait3A_24 = arith.constant 0 : i32
        %dma_wait3A_25 = tpu.memref_slice %arg10[%mul3A_2, %dma_wait3A_24] : memref<10240x64xf32, #tpu.memory_space<vmem_shared>> -> memref<640x64xf32, #tpu.memory_space<vmem_shared>>
        tpu.wait_dma2 semaphore(%run_scoped3A : memref<!tpu.dma_semaphore, #tpu.memory_space<semaphore_mem>>) src(%dma_wait3A_25 : memref<640x64xf32, #tpu.memory_space<vmem_shared>>) dst(%dma_wait3A_23 : memref<640x64xf32, #tpu.memory_space<hbm>>)
        tpu.yield
      }) : () -> ()
    } else {
    }
    return
  }
}

module attributes {stable_mosaic.version = 14 : i64} {
  func.func @_xs1_body(%arg0: i32, %arg1: memref<256x128xf32, #tpu.memory_space<vmem>>, %arg2: memref<128x128xf32, #tpu.memory_space<vmem>>, %arg3: memref<256x16xf32, #tpu.memory_space<vmem>>, %arg4: memref<256x16xf32, #tpu.memory_space<vmem>>, %arg5: memref<256x128xf32, #tpu.memory_space<vmem>>) attributes {dimension_semantics = [#tpu.dimension_semantics<arbitrary>], iteration_bounds = array<i64: 40>, scalar_prefetch = 0 : i64, scratch_operands = 0 : i64, tpu.core_type = #tpu.core_type<tc>, window_params = [{transform_indices = @transform_0, window_bounds = array<i64: 256, 128>}, {pipeline_mode = #tpu.pipeline_mode<synchronous>, transform_indices = @transform_1, window_bounds = array<i64: 128, 128>}, {transform_indices = @transform_2, window_bounds = array<i64: 256, 16>}, {transform_indices = @transform_3, window_bounds = array<i64: 256, 16>}, {transform_indices = @transform_4, window_bounds = array<i64: 256, 128>}]} {
    %get3A = arith.constant 0 : index
    %get3A_0 = arith.constant 0 : index
    %get3A_1 = vector.load %arg3[%get3A, %get3A_0] : memref<256x16xf32, #tpu.memory_space<vmem>>, vector<256x1xf32>
    %get3A_2 = arith.constant 0 : index
    %get3A_3 = arith.constant 0 : index
    %get3A_4 = vector.load %arg4[%get3A_2, %get3A_3] : memref<256x16xf32, #tpu.memory_space<vmem>>, vector<256x1xf32>
    %add3A = arith.addf %get3A_1, %get3A_4 : vector<256x1xf32>
    %add3A_5 = arith.constant 1.000000e+00 : f32
    %add3A_6 = vector.broadcast %add3A_5 : f32 to vector<256x1xf32>
    %add3A_7 = arith.addf %add3A, %add3A_6 : vector<256x1xf32>
    %rsqrt3A = math.rsqrt %add3A_7 : vector<256x1xf32>
    %get3A_8 = arith.constant 0 : index
    %get3A_9 = arith.constant 0 : index
    %get3A_10 = vector.load %arg1[%get3A_8, %get3A_9] : memref<256x128xf32, #tpu.memory_space<vmem>>, vector<256x128xf32>
    %get3A_11 = arith.constant 0 : index
    %get3A_12 = arith.constant 0 : index
    %get3A_13 = vector.load %arg2[%get3A_11, %get3A_12] : memref<128x128xf32, #tpu.memory_space<vmem>>, vector<128x128xf32>
    %dot_general3A = arith.constant dense<0.000000e+00> : vector<256x128xf32>
    %dot_general3A_14 = tpu.matmul %get3A_10, %get3A_13, %dot_general3A {dimension_numbers = #tpu.dot_dimension_numbers<[1], [0], [0], [1], [0, 0, 1, 1], [], []>, transpose_lhs_hint = false} : vector<256x128xf32>, vector<128x128xf32>, vector<256x128xf32> -> vector<256x128xf32>
    %mul3A = vector.broadcast %rsqrt3A : vector<256x1xf32> to vector<256x128xf32>
    %mul3A_15 = arith.mulf %dot_general3A_14, %mul3A : vector<256x128xf32>
    %swap3A = arith.constant 0 : index
    %swap3A_16 = arith.constant 0 : index
    %swap3A_17 = vector.load %arg5[%swap3A, %swap3A_16] : memref<256x128xf32, #tpu.memory_space<vmem>>, vector<256x128xf32>
    tpu.vector_store %arg5[%swap3A, %swap3A_16], %mul3A_15 {strides = array<i32>} : memref<256x128xf32, #tpu.memory_space<vmem>>, vector<256x128xf32>,
    return
  }
  func.func @transform_0(%arg0: i32) -> (i32, i32) {
    %c0_i32 = arith.constant 0 : i32
    %c0_i32_0 = arith.constant 0 : i32
    return %arg0, %c0_i32 : i32, i32
  }
  func.func @transform_1(%arg0: i32) -> (i32, i32) {
    %c0_i32 = arith.constant 0 : i32
    %c0_i32_0 = arith.constant 0 : i32
    %c0_i32_1 = arith.constant 0 : i32
    return %c0_i32, %c0_i32_0 : i32, i32
  }
  func.func @transform_2(%arg0: i32) -> (i32, i32) {
    %c0_i32 = arith.constant 0 : i32
    %c0_i32_0 = arith.constant 0 : i32
    return %arg0, %c0_i32 : i32, i32
  }
  func.func @transform_3(%arg0: i32) -> (i32, i32) {
    %c0_i32 = arith.constant 0 : i32
    %c0_i32_0 = arith.constant 0 : i32
    return %arg0, %c0_i32 : i32, i32
  }
  func.func @transform_4(%arg0: i32) -> (i32, i32) {
    %c0_i32 = arith.constant 0 : i32
    %c0_i32_0 = arith.constant 0 : i32
    return %arg0, %c0_i32 : i32, i32
  }
}

module attributes {stable_mosaic.version = 14 : i64} {
  func.func @_xs2_body(%arg0: i32, %arg1: memref<256x128xf32, #tpu.memory_space<vmem>>, %arg2: memref<256x128xf32, #tpu.memory_space<vmem>>, %arg3: memref<256x128xf32, #tpu.memory_space<vmem>>, %arg4: memref<256x16xf32, #tpu.memory_space<vmem>>, %arg5: memref<256x16xf32, #tpu.memory_space<vmem>>, %arg6: memref<1x128xf32, #tpu.memory_space<vmem>>, %arg7: memref<128x64xf32, #tpu.memory_space<vmem>>, %arg8: memref<256x64xf32, #tpu.memory_space<vmem>>) attributes {dimension_semantics = [#tpu.dimension_semantics<arbitrary>], iteration_bounds = array<i64: 40>, scalar_prefetch = 0 : i64, scratch_operands = 0 : i64, tpu.core_type = #tpu.core_type<tc>, window_params = [{transform_indices = @transform_0, window_bounds = array<i64: 256, 128>}, {transform_indices = @transform_1, window_bounds = array<i64: 256, 128>}, {transform_indices = @transform_2, window_bounds = array<i64: 256, 128>}, {transform_indices = @transform_3, window_bounds = array<i64: 256, 16>}, {transform_indices = @transform_4, window_bounds = array<i64: 256, 16>}, {pipeline_mode = #tpu.pipeline_mode<synchronous>, transform_indices = @transform_5, window_bounds = array<i64: 1, 128>}, {pipeline_mode = #tpu.pipeline_mode<synchronous>, transform_indices = @transform_6, window_bounds = array<i64: 128, 64>}, {transform_indices = @transform_7, window_bounds = array<i64: 256, 64>}]} {
    %get3A = arith.constant 0 : index
    %get3A_0 = arith.constant 0 : index
    %get3A_1 = vector.load %arg4[%get3A, %get3A_0] : memref<256x16xf32, #tpu.memory_space<vmem>>, vector<256x1xf32>
    %get3A_2 = arith.constant 0 : index
    %get3A_3 = arith.constant 0 : index
    %get3A_4 = vector.load %arg5[%get3A_2, %get3A_3] : memref<256x16xf32, #tpu.memory_space<vmem>>, vector<256x1xf32>
    %add3A = arith.addf %get3A_1, %get3A_4 : vector<256x1xf32>
    %add3A_5 = arith.constant 1.000000e+00 : f32
    %add3A_6 = vector.broadcast %add3A_5 : f32 to vector<256x1xf32>
    %add3A_7 = arith.addf %add3A, %add3A_6 : vector<256x1xf32>
    %rsqrt3A = math.rsqrt %add3A_7 : vector<256x1xf32>
    %get3A_8 = arith.constant 0 : index
    %get3A_9 = arith.constant 0 : index
    %get3A_10 = vector.load %arg1[%get3A_8, %get3A_9] : memref<256x128xf32, #tpu.memory_space<vmem>>, vector<256x128xf32>
    %get3A_11 = arith.constant 0 : index
    %get3A_12 = arith.constant 0 : index
    %get3A_13 = vector.load %arg2[%get3A_11, %get3A_12] : memref<256x128xf32, #tpu.memory_space<vmem>>, vector<256x128xf32>
    %add3A_14 = arith.addf %get3A_10, %get3A_13 : vector<256x128xf32>
    %get3A_15 = arith.constant 0 : index
    %get3A_16 = arith.constant 0 : index
    %get3A_17 = vector.load %arg3[%get3A_15, %get3A_16] : memref<256x128xf32, #tpu.memory_space<vmem>>, vector<256x128xf32>
    %sub3A = arith.subf %add3A_14, %get3A_17 : vector<256x128xf32>
    %mul3A = vector.broadcast %rsqrt3A : vector<256x1xf32> to vector<256x128xf32>
    %mul3A_18 = arith.mulf %mul3A, %sub3A : vector<256x128xf32>
    %get3A_19 = arith.constant 0 : index
    %get3A_20 = arith.constant 0 : index
    %get3A_21 = vector.load %arg6[%get3A_19, %get3A_20] : memref<1x128xf32, #tpu.memory_space<vmem>>, vector<1x128xf32>
    %add3A_22 = vector.broadcast %get3A_21 : vector<1x128xf32> to vector<256x128xf32>
    %add3A_23 = arith.addf %mul3A_18, %add3A_22 : vector<256x128xf32>
    %max3A = arith.constant 0.000000e+00 : f32
    %max3A_24 = vector.broadcast %max3A : f32 to vector<256x128xf32>
    %max3A_25 = arith.maximumf %add3A_23, %max3A_24 : vector<256x128xf32>
    %get3A_26 = arith.constant 0 : index
    %get3A_27 = arith.constant 0 : index
    %get3A_28 = vector.load %arg7[%get3A_26, %get3A_27] : memref<128x64xf32, #tpu.memory_space<vmem>>, vector<128x64xf32>
    %dot_general3A = arith.constant dense<0.000000e+00> : vector<256x64xf32>
    %dot_general3A_29 = tpu.matmul %max3A_25, %get3A_28, %dot_general3A {dimension_numbers = #tpu.dot_dimension_numbers<[1], [0], [0], [1], [0, 0, 1, 1], [], []>, transpose_lhs_hint = false} : vector<256x128xf32>, vector<128x64xf32>, vector<256x64xf32> -> vector<256x64xf32>
    %mul3A_30 = vector.broadcast %rsqrt3A : vector<256x1xf32> to vector<256x64xf32>
    %mul3A_31 = arith.mulf %dot_general3A_29, %mul3A_30 : vector<256x64xf32>
    %swap3A = arith.constant 0 : index
    %swap3A_32 = arith.constant 0 : index
    %swap3A_33 = vector.load %arg8[%swap3A, %swap3A_32] : memref<256x64xf32, #tpu.memory_space<vmem>>, vector<256x64xf32>
    tpu.vector_store %arg8[%swap3A, %swap3A_32], %mul3A_31 {strides = array<i32>} : memref<256x64xf32, #tpu.memory_space<vmem>>, vector<256x64xf32>,
    return
  }
  func.func @transform_0(%arg0: i32) -> (i32, i32) {
    %c0_i32 = arith.constant 0 : i32
    %c0_i32_0 = arith.constant 0 : i32
    return %arg0, %c0_i32 : i32, i32
  }
  func.func @transform_1(%arg0: i32) -> (i32, i32) {
    %c0_i32 = arith.constant 0 : i32
    %c0_i32_0 = arith.constant 0 : i32
    return %arg0, %c0_i32 : i32, i32
  }
  func.func @transform_2(%arg0: i32) -> (i32, i32) {
    %c0_i32 = arith.constant 0 : i32
    %c0_i32_0 = arith.constant 0 : i32
    return %arg0, %c0_i32 : i32, i32
  }
  func.func @transform_3(%arg0: i32) -> (i32, i32) {
    %c0_i32 = arith.constant 0 : i32
    %c0_i32_0 = arith.constant 0 : i32
    return %arg0, %c0_i32 : i32, i32
  }
  func.func @transform_4(%arg0: i32) -> (i32, i32) {
    %c0_i32 = arith.constant 0 : i32
    %c0_i32_0 = arith.constant 0 : i32
    return %arg0, %c0_i32 : i32, i32
  }
  func.func @transform_5(%arg0: i32) -> (i32, i32) {
    %c0_i32 = arith.constant 0 : i32
    %c0_i32_0 = arith.constant 0 : i32
    %c0_i32_1 = arith.constant 0 : i32
    return %c0_i32, %c0_i32_0 : i32, i32
  }
  func.func @transform_6(%arg0: i32) -> (i32, i32) {
    %c0_i32 = arith.constant 0 : i32
    %c0_i32_0 = arith.constant 0 : i32
    %c0_i32_1 = arith.constant 0 : i32
    return %c0_i32, %c0_i32_0 : i32, i32
  }
  func.func @transform_7(%arg0: i32) -> (i32, i32) {
    %c0_i32 = arith.constant 0 : i32
    %c0_i32_0 = arith.constant 0 : i32
    return %arg0, %c0_i32 : i32, i32
  }
}

module attributes {stable_mosaic.version = 14 : i64} {
  func.func @_final_body(%arg0: i32, %arg1: memref<256x64xf32, #tpu.memory_space<vmem>>, %arg2: memref<256x64xf32, #tpu.memory_space<vmem>>, %arg3: memref<256x64xf32, #tpu.memory_space<vmem>>, %arg4: memref<256x16xf32, #tpu.memory_space<vmem>>, %arg5: memref<256x16xf32, #tpu.memory_space<vmem>>, %arg6: memref<1x64xf32, #tpu.memory_space<vmem>>, %arg7: memref<256x64xf32, #tpu.memory_space<vmem>>) attributes {dimension_semantics = [#tpu.dimension_semantics<arbitrary>], iteration_bounds = array<i64: 40>, scalar_prefetch = 0 : i64, scratch_operands = 0 : i64, tpu.core_type = #tpu.core_type<tc>, window_params = [{transform_indices = @transform_0, window_bounds = array<i64: 256, 64>}, {transform_indices = @transform_1, window_bounds = array<i64: 256, 64>}, {transform_indices = @transform_2, window_bounds = array<i64: 256, 64>}, {transform_indices = @transform_3, window_bounds = array<i64: 256, 16>}, {transform_indices = @transform_4, window_bounds = array<i64: 256, 16>}, {pipeline_mode = #tpu.pipeline_mode<synchronous>, transform_indices = @transform_5, window_bounds = array<i64: 1, 64>}, {transform_indices = @transform_6, window_bounds = array<i64: 256, 64>}]} {
    %get3A = arith.constant 0 : index
    %get3A_0 = arith.constant 0 : index
    %get3A_1 = vector.load %arg4[%get3A, %get3A_0] : memref<256x16xf32, #tpu.memory_space<vmem>>, vector<256x1xf32>
    %get3A_2 = arith.constant 0 : index
    %get3A_3 = arith.constant 0 : index
    %get3A_4 = vector.load %arg5[%get3A_2, %get3A_3] : memref<256x16xf32, #tpu.memory_space<vmem>>, vector<256x1xf32>
    %add3A = arith.addf %get3A_1, %get3A_4 : vector<256x1xf32>
    %add3A_5 = arith.constant 1.000000e+00 : f32
    %add3A_6 = vector.broadcast %add3A_5 : f32 to vector<256x1xf32>
    %add3A_7 = arith.addf %add3A, %add3A_6 : vector<256x1xf32>
    %rsqrt3A = math.rsqrt %add3A_7 : vector<256x1xf32>
    %get3A_8 = arith.constant 0 : index
    %get3A_9 = arith.constant 0 : index
    %get3A_10 = vector.load %arg1[%get3A_8, %get3A_9] : memref<256x64xf32, #tpu.memory_space<vmem>>, vector<256x64xf32>
    %get3A_11 = arith.constant 0 : index
    %get3A_12 = arith.constant 0 : index
    %get3A_13 = vector.load %arg2[%get3A_11, %get3A_12] : memref<256x64xf32, #tpu.memory_space<vmem>>, vector<256x64xf32>
    %add3A_14 = arith.addf %get3A_10, %get3A_13 : vector<256x64xf32>
    %get3A_15 = arith.constant 0 : index
    %get3A_16 = arith.constant 0 : index
    %get3A_17 = vector.load %arg3[%get3A_15, %get3A_16] : memref<256x64xf32, #tpu.memory_space<vmem>>, vector<256x64xf32>
    %sub3A = arith.subf %add3A_14, %get3A_17 : vector<256x64xf32>
    %mul3A = vector.broadcast %rsqrt3A : vector<256x1xf32> to vector<256x64xf32>
    %mul3A_18 = arith.mulf %mul3A, %sub3A : vector<256x64xf32>
    %get3A_19 = arith.constant 0 : index
    %get3A_20 = arith.constant 0 : index
    %get3A_21 = vector.load %arg6[%get3A_19, %get3A_20] : memref<1x64xf32, #tpu.memory_space<vmem>>, vector<1x64xf32>
    %add3A_22 = vector.broadcast %get3A_21 : vector<1x64xf32> to vector<256x64xf32>
    %add3A_23 = arith.addf %mul3A_18, %add3A_22 : vector<256x64xf32>
    %reduce_max3A = arith.constant dense<0xFF800000> : vector<256xf32>
    %reduce_max3A_24 = vector.multi_reduction <maximumf>, %add3A_23, %reduce_max3A [1] : vector<256x64xf32> to vector<256xf32>
    %broadcast_in_dim3A = vector.shape_cast %reduce_max3A_24 : vector<256xf32> to vector<256x1xf32>
    %sub3A_25 = vector.broadcast %broadcast_in_dim3A : vector<256x1xf32> to vector<256x64xf32>
    %sub3A_26 = arith.subf %add3A_23, %sub3A_25 : vector<256x64xf32>
    %exp3A = math.exp %sub3A_26 : vector<256x64xf32>
    %sub3A_27 = vector.broadcast %broadcast_in_dim3A : vector<256x1xf32> to vector<256x64xf32>
    %sub3A_28 = arith.subf %add3A_23, %sub3A_27 : vector<256x64xf32>
    %reduce_sum3A = arith.constant dense<0.000000e+00> : vector<256xf32>
    %reduce_sum3A_29 = vector.multi_reduction <add>, %exp3A, %reduce_sum3A [1] : vector<256x64xf32> to vector<256xf32>
    %broadcast_in_dim3A_30 = vector.shape_cast %reduce_sum3A_29 : vector<256xf32> to vector<256x1xf32>
    %log3A = math.log %broadcast_in_dim3A_30 : vector<256x1xf32>
    %sub3A_31 = vector.broadcast %log3A : vector<256x1xf32> to vector<256x64xf32>
    %sub3A_32 = arith.subf %sub3A_28, %sub3A_31 : vector<256x64xf32>
    %swap3A = arith.constant 0 : index
    %swap3A_33 = arith.constant 0 : index
    %swap3A_34 = vector.load %arg7[%swap3A, %swap3A_33] : memref<256x64xf32, #tpu.memory_space<vmem>>, vector<256x64xf32>
    tpu.vector_store %arg7[%swap3A, %swap3A_33], %sub3A_32 {strides = array<i32>} : memref<256x64xf32, #tpu.memory_space<vmem>>, vector<256x64xf32>,
    return
  }
  func.func @transform_0(%arg0: i32) -> (i32, i32) {
    %c0_i32 = arith.constant 0 : i32
    %c0_i32_0 = arith.constant 0 : i32
    return %arg0, %c0_i32 : i32, i32
  }
  func.func @transform_1(%arg0: i32) -> (i32, i32) {
    %c0_i32 = arith.constant 0 : i32
    %c0_i32_0 = arith.constant 0 : i32
    return %arg0, %c0_i32 : i32, i32
  }
  func.func @transform_2(%arg0: i32) -> (i32, i32) {
    %c0_i32 = arith.constant 0 : i32
    %c0_i32_0 = arith.constant 0 : i32
    return %arg0, %c0_i32 : i32, i32
  }
  func.func @transform_3(%arg0: i32) -> (i32, i32) {
    %c0_i32 = arith.constant 0 : i32
    %c0_i32_0 = arith.constant 0 : i32
    return %arg0, %c0_i32 : i32, i32
  }
  func.func @transform_4(%arg0: i32) -> (i32, i32) {
    %c0_i32 = arith.constant 0 : i32
    %c0_i32_0 = arith.constant 0 : i32
    return %arg0, %c0_i32 : i32, i32
  }
  func.func @transform_5(%arg0: i32) -> (i32, i32) {
    %c0_i32 = arith.constant 0 : i32
    %c0_i32_0 = arith.constant 0 : i32
    %c0_i32_1 = arith.constant 0 : i32
    return %c0_i32, %c0_i32_0 : i32, i32
  }
  func.func @transform_6(%arg0: i32) -> (i32, i32) {
    %c0_i32 = arith.constant 0 : i32
    %c0_i32_0 = arith.constant 0 : i32
    return %arg0, %c0_i32 : i32, i32
  }
}

</mosaic_0001>

<sc_bundles>
// kernel: kernel.11.cloned.1.call-start
scs
__scs_entry_jumppad:
0x0: {  	(pc) =	sbr.rel $0x88, $3  }
0x1: {  	(tag) =	ssettag $0x0;
	lr =	simm.s32 $0x1  }
0x2: {  	[smem:$0x3F9B] =	sst lr;
	_ =	strace $0xD0000000  }
0x3: {  	_ = 	snop  }
0x4: {  	_ = 	snop  }
0x5: {  	_ = 	snop  }
0x6: {  	_ = 	snop  }
0x7: {  	_ = 	snop  }
__scs_overlays_trampoline_lowered:
0x8: {  	[smem:$0x3FAA] =	sst s0  }
0x9: {  	[smem:$0x3FAB] =	sst s1  }
0xa: {  	[smem:$0x3FAC] =	sst s2  }
0xb: {  	[smem:$0x3FAD] =	sst s3  }
0xc: {  	[smem:$0x3FAE] =	sst s4  }
0xd: {  	[smem:$0x3FAF] =	sst s5  }
0xe: {  	[smem:$0x3FB0] =	sst s6  }
0xf: {  	[smem:$0x3FB1] =	sst s7  }
0x10: {  	[smem:$0x3FB2] =	sst s8  }
0x11: {  	[smem:$0x3FB3] =	sst s9;
	s0 =	simm.s32 @!p0 $0x0  }
0x12: {  	s1 =	sld [smem:$0x3F99];
	s0 =	simm.s32 @p0 $0x1  }
0x13: {  	[smem:$0x3FB4] =	sst s0;
	s0 =	simm.s32 @!p1 $0x0  }
0x14: {  	s2 =	sld [smem:$0x3F98];
	s0 =	simm.s32 @p1 $0x1  }
0x15: {  	[smem:$0x3FB5] =	sst s0;
	s0 =	simm.s32 @!p2 $0x0  }
0x16: {  	s3 =	sld [smem:$0x3FDB];
	s0 =	simm.s32 @p2 $0x1  }
0x17: {  	s4 =	simm.s32 $0x1BF5;
	[smem:$0x3FB7] =	sst s0  }
0x18: {  	s0 =	sld [smem:$0x3F9A];
	_ =	swait.ge [sflag:s4], $0x0  }
0x19: {  	s7 =	sld [smem:$0x3F9B]  }
0x1a: {  	s8 =	sadd.s32 $0xFFFFE003, lr  }
0x1b: {  	s9 =	sadd.s32 $0xFFFFFEF7, lr;
	s5 =	simm.s32 $0xFFFFFFFF;
	p2 =	slt.u32 s8, $0xFFFFF086  }
0x1c: {  	p1 =	slt.u32 s9, $0xF7A;
	s5 =	simm.s32 @!p2 $0x0  }
0x1d: {  	s5 =	simm.s32 @p1 $0x1;
	p0 =	seq.s32 s7, s2  }
0x1e: {  	s7 =	smul.u32 @!p0 $0xF7A, s2;
	p2 =	seq.s32 @!p0 s5, $0x0  }
0x1f: {  	s9 =	smul.u32 $0xF7A, s1;
	s8 =	simm.s32 @!p0 $0x1BF5;
	p2 =	por !p2, p0  }
0x20: {  	[sflag:s8] =	ssyncset.s32 @!p0 $0xFFFFF086;
	s6 =	sadd.s32 @!p0 s3, s7;
	s7 =	simm.s32 @!p0 $0x108  }
0x21: {  	s3 =	sadd.s32 s3, s9;
	s6 =	sadd.s32 @!p0 $0x88, s6;
	s7 =	simm.s32 @p2 $0x1082  }
0x22: {  	[simem:s7], [sflag:s8] =	dma.local @!p0 [hbm:s6], $0xF7A  }
0x23: {  	s9 =	sor.u32 $0xD0000000, s2;
	s6 =	simm.s32 $0x108;
	_ =	swait.ge @!p0 [sflag:s8], $0x0  }
0x24: {  	s3 =	sadd.s32 $0x88, s3;
	s6 =	simm.s32 @!p1 $0x1082;
	[sflag:s4] =	ssyncset.s32 $0xFFFFF086  }
0x25: {  	[simem:s6], [sflag:s4] =	dma.local [hbm:s3], $0xF7A  }
0x26: {  	[smem:$0x3F9B] =	sst s1;
	(tag) =	ssettag s2;
	_ =	strace s9  }
0x27: {  	s1 =	sld [smem:$0x3FAB]  }
0x28: {  	s2 =	sld [smem:$0x3FAC]  }
0x29: {  	s4 =	sld [smem:$0x3FAE]  }
0x2a: {  	p0 =	seq.s32 s5, $0x0;
	s5 =	sld [smem:$0x3FAF]  }
0x2b: {  	s6 =	sld [smem:$0x3FB0]  }
0x2c: {  	s7 =	sld [smem:$0x3FB1]  }
0x2d: {  	s3 =	simm.s32 $0x108;
	s8 =	sld [smem:$0x3FB2]  }
0x2e: {  	s3 =	simm.s32 @!p0 $0x1082;
	s9 =	sld [smem:$0x3FB3]  }
0x2f: {  	lr =	sadd.s32 s0, s3;
	s0 =	sld [smem:$0x3FAA]  }
0x30: {  	s3 =	sld [smem:$0x3FAD]  }
0x31: {  	[smem:$0x3FB6] =	sst s10  }
0x32: {  	s10 =	sld [smem:$0x3FB4];
	_ =	sdelay $0x3  }
0x33: {  	p0 =	seq.s32 s10, $0x1;
	s10 =	sld [smem:$0x3FB6];
	_ =	sdelay $0x3  }
0x34: {  	[smem:$0x3FB6] =	sst s10  }
0x35: {  	s10 =	sld [smem:$0x3FB5];
	_ =	sdelay $0x3  }
0x36: {  	p1 =	seq.s32 s10, $0x1;
	s10 =	sld [smem:$0x3FB6];
	_ =	sdelay $0x3  }
0x37: {  	[smem:$0x3FB6] =	sst s10  }
0x38: {  	s10 =	sld [smem:$0x3FB7]  }
0x39: {  	_ = 	snop;
	(pc) =	sbr.ind lr, $3  }
0x3a: {  	_ = 	snop  }
0x3b: {  	_ = 	snop  }
0x3c: {  	p2 =	seq.s32 s10, $0x1;
	s10 =	sld [smem:$0x3FB6]  }
0x3d: {  	_ =	shalt  }
0x3e: {  	_ =	shalt  }
0x3f: {  	_ =	shalt  }
0x40: {  	_ =	shalt  }
0x41: {  	_ =	shalt  }
0x42: {  	_ =	shalt  }
0x43: {  	_ =	shalt  }
0x44: {  	_ =	shalt  }
0x45: {  	_ =	shalt  }
0x46: {  	_ =	shalt  }
0x47: {  	_ =	shalt  }
0x48: {  	_ =	shalt  }
0x49: {  	_ =	shalt  }
0x4a: {  	_ =	shalt  }
0x4b: {  	_ =	shalt  }
0x4c: {  	_ =	shalt  }
0x4d: {  	_ =	shalt  }
0x4e: {  	_ =	shalt  }
0x4f: {  	_ =	shalt  }
0x50: {  	_ =	shalt  }
0x51: {  	_ =	shalt  }
0x52: {  	_ =	shalt  }
0x53: {  	_ =	shalt  }
0x54: {  	_ =	shalt  }
0x55: {  	_ =	shalt  }
0x56: {  	_ =	shalt  }
0x57: {  	_ =	shalt  }
0x58: {  	_ =	shalt  }
0x59: {  	_ =	shalt  }
0x5a: {  	_ =	shalt  }
0x5b: {  	_ =	shalt  }
0x5c: {  	_ =	shalt  }
0x5d: {  	_ =	shalt  }
0x5e: {  	_ =	shalt  }
0x5f: {  	_ =	shalt  }
0x60: {  	_ =	shalt  }
0x61: {  	_ =	shalt  }
0x62: {  	_ =	shalt  }
0x63: {  	_ =	shalt  }
0x64: {  	_ =	shalt  }
0x65: {  	_ =	shalt  }
0x66: {  	_ =	shalt  }
0x67: {  	_ =	shalt  }
0x68: {  	_ =	shalt  }
0x69: {  	_ =	shalt  }
0x6a: {  	_ =	shalt  }
0x6b: {  	_ =	shalt  }
0x6c: {  	_ =	shalt  }
0x6d: {  	_ =	shalt  }
0x6e: {  	_ =	shalt  }
0x6f: {  	_ =	shalt  }
0x70: {  	_ =	shalt  }
0x71: {  	_ =	shalt  }
0x72: {  	_ =	shalt  }
0x73: {  	_ =	shalt  }
0x74: {  	_ =	shalt  }
0x75: {  	_ =	shalt  }
0x76: {  	_ =	shalt  }
0x77: {  	_ =	shalt  }
0x78: {  	_ =	shalt  }
0x79: {  	_ =	shalt  }
0x7a: {  	_ =	shalt  }
0x7b: {  	_ =	shalt  }
0x7c: {  	_ =	shalt  }
0x7d: {  	_ =	shalt  }
0x7e: {  	_ =	shalt  }
0x7f: {  	_ =	shalt  }
0x80: {  	_ =	shalt  }
0x81: {  	_ =	shalt  }
0x82: {  	_ =	shalt  }
0x83: {  	_ =	shalt  }
0x84: {  	_ =	shalt  }
0x85: {  	_ =	shalt  }
0x86: {  	_ =	shalt  }
0x87: {  	_ =	shalt  }
.Lfunc_end0:
.L_simem_size_0:
called_computation.1_lowered:
.L_overlay_start_0:
0x88: {  	s2 =	sld [smem:$0x3FD9]  }
0x89: {  	s3 =	sld [smem:$0x3FFE];
	_ =	sdelay $0x1  }
0x8a: {  	s1 =	srdreg.scid  }
0x8b: {  	s0 =	sand.u32 $0x1, s1  }
0x8c: {  	s17 =	sshll.u32 s0, $0xA;
	s2 =	sadd.s32 s3, s2  }
0x8d: {  	s2 =	sadd.s32 s2, s17  }
0x8e: {  	[smem:$0x3FC2] =	sst s2  }
0x8f: {  	_ = 	snop  }
0x90: {  	s2 =	sld [smem:$0x3FD0];
	(tm) =	ssettm $0x1  }
0x91: {  	s18 =	sld [smem:$0x3FFB];
	_ =	sdelay $0x3  }
0x92: {  	_ =	strace s18  }
0x93: {  	s3 =	sld [smem:$0x3FFC];
	_ =	sdelay $0x3  }
0x94: {  	_ =	strace s3  }
0x95: {  	s3 =	sld [smem:$0x3FFD];
	_ =	sdelay $0x3  }
0x96: {  	_ =	strace s3  }
0x97: {  	_ =	strace $0x8FFFFFFF  }
0x98: {  	s19 =	sld [smem:$0x3FDB];
	_ =	sdelay $0x1  }
0x99: {  	s4 =	simm.s32 $_scs_section_size  }
0x9a: {  	s5 =	simm.s32 $_size__tile_overlayer_lowered;
	s6 =	simm.s32 $_tile_overlayer_lowered  }
0x9b: {  	s22 =	simm.s32 $0x1BFF;
	s21 =	sshll.u32 s6, $0x1;
	s3 =	sadd.s32 s4, s19  }
0x9c: {  	s7 =	simm.s32 $0x0;
	s20 =	sshll.u32 s5, $0x1;
	s5 =	sadd.s32 s21, s3  }
0x9d: {  	[timem:s7], [sflag:s22] =	dma.local [hbm:s5], s20  }
0x9e: {  	_ =	swait.ge [sflag:s22], s20  }
0x9f: {  	s4 =	ssub.s32 $0x0, s20;
	[sflag:s22] =	ssyncset.done $0x0  }
0xa0: {  	[sflag:s22] =	ssyncadd.s32 s4;
	_ =	sdelay $0x1  }
0xa1: {  	s23 =	simm.s32 $0x1B8B  }
0xa2: {  	_ =	swait.ge [sflag:s23], $0x1  }
0xa3: {  	[sflag:s23] =	ssyncset.done $0x0  }
0xa4: {  	s25 =	simm.s32 $0x1B8E;
	s24 =	sld [smem:$0x3FFE];
	[sflag:s23] =	ssyncadd.s32 $0xFFFFFFFF  }
0xa5: {  	s26 =	simm.s32 $execute0_lowered;
	[smem:$0x3FD2] =	sst s25  }
0xa6: {  	s5 =	sshll.u32 s26, $0x1;
	_ =	strace $0x80000049;
	[dreg:$0x1] =	wrdreg $0xFFFFFFFF  }
0xa7: {  	s28 =	simm.s32 $_size_execute0_lowered;
	s3 =	sadd.s32 s3, s5;
	[dreg:$0x0] =	wrdreg $0x0  }
0xa8: {  	s5 =	sshll.u32 s28, $0x1;
	[dreg:$0x2] =	wrdreg s3  }
0xa9: {  	[dreg:$0x3] =	wrdreg s5  }
0xaa: {  	[dreg:$0x4] =	wrdreg $0xC0  }
0xab: {  	_ =	task [dreg:s7], $0x5FFFF  }
0xac: {  	[dreg:$0x1] =	wrdreg $0xFFFFFFFF  }
0xad: {  	[dreg:$0x0] =	wrdreg $0x60  }
0xae: {  	[dreg:$0x2] =	wrdreg s24  }
0xaf: {  	[dreg:$0x3] =	wrdreg s2  }
0xb0: {  	[dreg:$0x4] =	wrdreg $0x90000  }
0xb1: {  	[dreg:$0x5] =	wrdreg $0x9  }
0xb2: {  	_ =	task.clear_ibuf [dreg:s7], $0x6FFFF;
	_ =	strace $0x90000049  }
0xb3: {  	s29 =	simm.s32 $0x9;
	_ =	strace $0x8000004B  }
0xb4: {  	_ =	swait.ge [sflag:s29], $0x1  }
0xb5: {  	[sflag:s29] =	ssyncadd.s32 $0xFFFFFFFF  }
0xb6: {  	_ =	strace $0x9000004B  }
0xb7: {  	_ =	sfence  }
0xb8: {  	s30 =	sld [smem:$0x0];
	_ =	sdelay $0x2  }
0xb9: {  	s31 =	sshll.u32 s1, $0xD;
	s1 =	sshrl.u32 s1, $0x2  }
0xba: {  	s3 =	sand.u32 $0x4000, s31;
	s1 =	sadd.s32 s1, s30  }
0xbb: {  	s0 =	sor.u32 s3, s0;
	s1 =	sshll.u32 s1, $0x11  }
0xbc: {  	s0 =	sor.u32 s1, s0  }
0xbd: {  	s0 =	sadd.s32 $0x8F2B, s0  }
0xbe: {  	[sflag:s0] =	ssyncadd.remote.s32 $0x1  }
0xbf: {  	_ =	sfence.sel $0xFFFF  }
0xc0: {  	[dreg:$0x0] =	wrdreg $0xFFFFFFFF;
	(pc) =	sbr.abs _section_cstart, $3  }
0xc1: {  	[dreg:$0x1] =	wrdreg $0xFFFFFFFF  }
0xc2: {  	_ =	task.clear_ibuf [dreg:s7], $0x2FFFF;
	_ =	strace $0x9FFFFFFF  }
0xc3: {  	(tm) =	ssettm $0x7FFFFFFF  }
tec
execute0_lowered:
.L_overlay_start_1:
0x0: {  	(tag) =	ssettag $0x1  }
0x1: {  	s9 =	rddreg [dreg:$0x0]  }
0x2: {  	s0 =	srdreg.scid;
	s8 =	rddreg [dreg:$0x1]  }
0x3: {  	s2 =	rddreg [dreg:$0x2];
	s1 =	stileid.u32;
	s3 =	simm.s32 $0x0  }
0x4: {  	s15 =	simm.s32 $0xBC800;
	s5 =	sand.u32 $0x1, s0;
	s0 =	rddreg [dreg:$0x3]  }
0x5: {  	s16 =	simm.s32 $0x1;
	s17 =	simm.s32 $0x0;
	[smem:$0x7FF] =	sst s3  }
0x6: {  	s7 =	smul.u32 $0x14000, s1;
	s30 =	sshll.u32 s1, $0x6;
	s4 =	sshll.u32 s5, $0x4  }
0x7: {  	_ =	strace $0x8000004A;
	s6 =	ssub.s32 $0x2, s5;
	p0 =	seq.s32 s5, $0x1  }
0x8: {  	s4 =	sor.u32 s1, s4;
	s12 =	sshrl.u32 s6, $0x1;
	s13 =	sadd.s32 s7, s2  }
0x9: {  	s14 =	sshrl.u32 s7, $0x3;
	s15 =	simm.s32 @!p0 $0x94800;
	s10 =	smul.u32 $0x500, s4  }
0xa: {  	s4 =	sadd.s32 $0x6C800, s9;
	s12 =	ssub.s32 s6, s12;
	s6 =	sor.u32 $0x1C02, s30  }
0xb: {  	s31 =	sadd.s32 s15, s9;
	s15 =	simm.s32 $0x5000;
	s5 =	sadd.s32 s4, s14  }
0xc: {  	s11 =	sadd.s32 s10, s9;
	s8 =	sadd.s32 s8, s10;
	s9 =	smax.u32 s12, $0x1  }
0xd: {  	s10 =	sadd.s32 s31, s14;
	s12 =	simm.s32 $0x2;
	s14 =	simm.s32 $0x80  }
0xe: {  	s7 =	sadd.s32 $0x12800, s11;
	s11 =	sshrl.u32 s13, $0x3;
	s13 =	simm.s32 $0x2800  }
.LBB2_1:
0xf: {  	[spmem:s11], [sflag:s6] =	dma.local [hbm:s5], $0x2800  }
0x10: {  	_ =	swait.ge [sflag:s12], $0x2800  }
0x11: {  	[sflag:s12] =	ssyncset.done $0x0  }
0x12: {  	[sflag:s12] =	ssyncadd.s32 $0xFFFFD800  }
0x13: {  	[tilespmem:s3], [sflag:$0x2] =	stream.linear.gather [hbm4b:s7+s3], $0x2800, $0x38;
	[tilespmem:$0x1D000] =	vst v63  }
0x14: {  	_ =	swait.ge [sflag:s12], $0x2800  }
0x15: {  	[sflag:s12] =	ssyncset.done $0x0  }
0x16: {  	[sflag:s12] =	ssyncadd.s32 $0xFFFFD800  }
0x17: {  	[tilespmem:s13], [sflag:$0x2] =	stream.linear.gather [hbm4b:s8+s3], $0x2800, $0x38;
	[tilespmem:$0x1D000] =	vst v63  }
0x18: {  	_ =	swait.ge [sflag:s12], $0x2800  }
0x19: {  	[sflag:s12] =	ssyncset.done $0x0  }
0x1a: {  	[sflag:s12] =	ssyncadd.s32 $0xFFFFD800  }
0x1b: {  	s18 =	simm.s32 $0x0;
	[bflag:$0x0] =	sbarrier.arrive $0xFFFF  }
0x1c: {  	[tilespmem:s15], [sflag:$0x1] =	stream.indirect.gather [hbm4b:s4+s14], $0x80, s18, s14, $0xb8;
	[tilespmem:$0x1D000] =	vst v63  }
0x1d: {  	_ =	swait.ge [sflag:s16], $0x4000  }
0x1e: {  	[sflag:s16] =	ssyncset.done $0x0  }
0x1f: {  	s31 =	simm.s32 $0x2800;
	[sflag:s16] =	ssyncadd.s32 $0xFFFFC000  }
0x20: {  	[spmem:s2] =	stream.indirect.scatter.add.f32 [tilespmem:s15], [sflag:$0x2], $0x80, s31, s14, $0xb8;
	[tilespmem:$0x1D000] =	vst v63  }
0x21: {  	_ =	swait.ge [sflag:s12], $0x4000  }
0x22: {  	s19 =	simm.s32 $0x400;
	s18 =	simm.s32 $0x200;
	[sflag:s12] =	ssyncset.done $0x0  }
.LBB2_2:
0x23: {  	s20 =	sshra.s32 s18, $0x2  }
0x24: {  	[sflag:s12] =	ssyncadd.s32 $0xFFFFC000;
	s18 =	smov.u32 s19;
	s21 =	sadd.s32 $0x200, s19  }
0x25: {  	[tilespmem:s15], [sflag:$0x1] =	stream.indirect.gather [hbm4b:s4+s14], $0x80, s20, s14, $0xb8;
	[tilespmem:$0x1D000] =	vst v63  }
0x26: {  	p0 =	sne.s32 s19, $0x9E00;
	_ =	swait.ge [sflag:s16], $0x4000  }
.Ltmp0:
0x27: {  	[sflag:s16] =	ssyncset.done $0x0;
	(pc) =	sbr.rel @p0 .LBB2_2-.Ltmp0, $4  }
0x28: {  	s19 =	sadd.s32 $0x2800, s20;
	[sflag:s16] =	ssyncadd.s32 $0xFFFFC000  }
0x29: {  	[spmem:s2] =	stream.indirect.scatter.add.f32 [tilespmem:s15], [sflag:$0x2], $0x80, s19, s14, $0xb8;
	[tilespmem:$0x1D000] =	vst v63  }
0x2a: {  	_ =	swait.ge [sflag:s12], $0x4000  }
0x2b: {  	s19 =	smov.u32 s21;
	[sflag:s12] =	ssyncset.done $0x0  }
0x2c: {  	s18 =	sshra.s32 s18, $0x2;
	[sflag:s12] =	ssyncadd.s32 $0xFFFFC000  }
0x2d: {  	[tilespmem:s15], [sflag:$0x1] =	stream.indirect.gather [hbm4b:s4+s14], $0x80, s18, s14, $0xb8;
	[tilespmem:$0x1D000] =	vst v63  }
0x2e: {  	_ =	swait.ge [sflag:s16], $0x4000  }
0x2f: {  	[sflag:s16] =	ssyncset.done $0x0  }
0x30: {  	s18 =	sadd.s32 $0x2800, s18;
	[sflag:s16] =	ssyncadd.s32 $0xFFFFC000  }
0x31: {  	[spmem:s2] =	stream.indirect.scatter.add.f32 [tilespmem:s15], [sflag:$0x2], $0x80, s18, s14, $0xb8;
	[tilespmem:$0x1D000] =	vst v63  }
0x32: {  	_ =	swait.ge [sflag:s12], $0x4000  }
0x33: {  	s17 =	sadd.s32 $0x1, s17;
	[sflag:s12] =	ssyncset.done $0x0  }
0x34: {  	p0 =	sne.s32 s17, s9;
	[sflag:s12] =	ssyncadd.s32 $0xFFFFC000  }
.Ltmp1:
0x35: {  	[bflag:$0x0] =	sbarrier.arrive $0xFFFF;
	(pc) =	sbr.rel @p0 .LBB2_1-.Ltmp1, $4  }
0x36: {  	[hbm:s10], [sflag:s6] =	dma.local [spmem:s11], $0x2800  }
0x37: {  	_ =	swait.ge [sflag:s12], $0x2800  }
0x38: {  	[sflag:s12] =	ssyncset.done $0x0  }
0x39: {  	[sflag:s12] =	ssyncadd.s32 $0xFFFFD800  }
0x3a: {  	_ =	sfence.sel $0x180000  }
0x3b: {  	[bflag:$0x0] =	sbarrier.arrive $0xFFFF  }
0x3c: {  	p0 =	sne.s32 s1, $0x0;
	_ =	strace $0x9000004A  }
0x3d: {  	s0 =	sadd.s32 @!p0 $0x100000, s0;
	[bflag:$0x2] =	sbarrier.arrive $0xFFFF  }
0x3e: {  	[sflag:s0] =	ssyncadd.tile.s32 @!p0 $0x1;
	_ =	shalt  }
.Lfunc_end2:
_tile_overlayer_lowered:
.L_overlay_start_2:
0x3f: {  	(tag) =	ssettag $0x2  }
0x40: {  	s0 =	rddreg [dreg:$0x0];
	s2 =	stileid.u32  }
0x41: {  	s1 =	rddreg [dreg:$0x1];
	p0 =	sne.s32 s2, $0x0  }
0x42: {  	s3 =	rddreg [dreg:$0x2];
	[bflag:$0x3] =	sbarrier.arrive $0xFFFF;
	s2 =	simm.s32 @!p0 $0x1C02  }
0x43: {  	[timem:s3], [sflag:s2] =	dma.local @!p0 [hbm:s0], s1  }
0x44: {  	s0 =	simm.s32 @!p0 $0x2  }
0x45: {  	_ =	swait.ge @!p0 [sflag:s0], s1  }
0x46: {  	s1 =	ssub.s32 @!p0 $0x0, s1;
	[sflag:s0] =	ssyncset.done @!p0 $0x0  }
0x47: {  	[sflag:s0] =	ssyncadd.s32 @!p0 s1  }
0x48: {  	[bflag:$0x3] =	sbarrier.arrive $0xFFFF  }
0x49: {  	_ =	shalt  }

// kernel: kernel.14.cloned.1.call-start
scs
__scs_entry_jumppad:
0x0: {  	(pc) =	sbr.rel $0x88, $3  }
0x1: {  	(tag) =	ssettag $0x0;
	lr =	simm.s32 $0x1  }
0x2: {  	[smem:$0x3F9B] =	sst lr;
	_ =	strace $0xD0000000  }
0x3: {  	_ = 	snop  }
0x4: {  	_ = 	snop  }
0x5: {  	_ = 	snop  }
0x6: {  	_ = 	snop  }
0x7: {  	_ = 	snop  }
__scs_overlays_trampoline_lowered:
0x8: {  	[smem:$0x3FAA] =	sst s0  }
0x9: {  	[smem:$0x3FAB] =	sst s1  }
0xa: {  	[smem:$0x3FAC] =	sst s2  }
0xb: {  	[smem:$0x3FAD] =	sst s3  }
0xc: {  	[smem:$0x3FAE] =	sst s4  }
0xd: {  	[smem:$0x3FAF] =	sst s5  }
0xe: {  	[smem:$0x3FB0] =	sst s6  }
0xf: {  	[smem:$0x3FB1] =	sst s7  }
0x10: {  	[smem:$0x3FB2] =	sst s8  }
0x11: {  	[smem:$0x3FB3] =	sst s9;
	s0 =	simm.s32 @!p0 $0x0  }
0x12: {  	s1 =	sld [smem:$0x3F99];
	s0 =	simm.s32 @p0 $0x1  }
0x13: {  	[smem:$0x3FB4] =	sst s0;
	s0 =	simm.s32 @!p1 $0x0  }
0x14: {  	s2 =	sld [smem:$0x3F98];
	s0 =	simm.s32 @p1 $0x1  }
0x15: {  	[smem:$0x3FB5] =	sst s0;
	s0 =	simm.s32 @!p2 $0x0  }
0x16: {  	s3 =	sld [smem:$0x3FDB];
	s0 =	simm.s32 @p2 $0x1  }
0x17: {  	s4 =	simm.s32 $0x1BF5;
	[smem:$0x3FB7] =	sst s0  }
0x18: {  	s0 =	sld [smem:$0x3F9A];
	_ =	swait.ge [sflag:s4], $0x0  }
0x19: {  	s7 =	sld [smem:$0x3F9B]  }
0x1a: {  	s8 =	sadd.s32 $0xFFFFE003, lr  }
0x1b: {  	s9 =	sadd.s32 $0xFFFFFEF7, lr;
	s5 =	simm.s32 $0xFFFFFFFF;
	p2 =	slt.u32 s8, $0xFFFFF086  }
0x1c: {  	p1 =	slt.u32 s9, $0xF7A;
	s5 =	simm.s32 @!p2 $0x0  }
0x1d: {  	s5 =	simm.s32 @p1 $0x1;
	p0 =	seq.s32 s7, s2  }
0x1e: {  	s7 =	smul.u32 @!p0 $0xF7A, s2;
	p2 =	seq.s32 @!p0 s5, $0x0  }
0x1f: {  	s9 =	smul.u32 $0xF7A, s1;
	s8 =	simm.s32 @!p0 $0x1BF5;
	p2 =	por !p2, p0  }
0x20: {  	[sflag:s8] =	ssyncset.s32 @!p0 $0xFFFFF086;
	s6 =	sadd.s32 @!p0 s3, s7;
	s7 =	simm.s32 @!p0 $0x108  }
0x21: {  	s3 =	sadd.s32 s3, s9;
	s6 =	sadd.s32 @!p0 $0x88, s6;
	s7 =	simm.s32 @p2 $0x1082  }
0x22: {  	[simem:s7], [sflag:s8] =	dma.local @!p0 [hbm:s6], $0xF7A  }
0x23: {  	s9 =	sor.u32 $0xD0000000, s2;
	s6 =	simm.s32 $0x108;
	_ =	swait.ge @!p0 [sflag:s8], $0x0  }
0x24: {  	s3 =	sadd.s32 $0x88, s3;
	s6 =	simm.s32 @!p1 $0x1082;
	[sflag:s4] =	ssyncset.s32 $0xFFFFF086  }
0x25: {  	[simem:s6], [sflag:s4] =	dma.local [hbm:s3], $0xF7A  }
0x26: {  	[smem:$0x3F9B] =	sst s1;
	(tag) =	ssettag s2;
	_ =	strace s9  }
0x27: {  	s1 =	sld [smem:$0x3FAB]  }
0x28: {  	s2 =	sld [smem:$0x3FAC]  }
0x29: {  	s4 =	sld [smem:$0x3FAE]  }
0x2a: {  	p0 =	seq.s32 s5, $0x0;
	s5 =	sld [smem:$0x3FAF]  }
0x2b: {  	s6 =	sld [smem:$0x3FB0]  }
0x2c: {  	s7 =	sld [smem:$0x3FB1]  }
0x2d: {  	s3 =	simm.s32 $0x108;
	s8 =	sld [smem:$0x3FB2]  }
0x2e: {  	s3 =	simm.s32 @!p0 $0x1082;
	s9 =	sld [smem:$0x3FB3]  }
0x2f: {  	lr =	sadd.s32 s0, s3;
	s0 =	sld [smem:$0x3FAA]  }
0x30: {  	s3 =	sld [smem:$0x3FAD]  }
0x31: {  	[smem:$0x3FB6] =	sst s10  }
0x32: {  	s10 =	sld [smem:$0x3FB4];
	_ =	sdelay $0x3  }
0x33: {  	p0 =	seq.s32 s10, $0x1;
	s10 =	sld [smem:$0x3FB6];
	_ =	sdelay $0x3  }
0x34: {  	[smem:$0x3FB6] =	sst s10  }
0x35: {  	s10 =	sld [smem:$0x3FB5];
	_ =	sdelay $0x3  }
0x36: {  	p1 =	seq.s32 s10, $0x1;
	s10 =	sld [smem:$0x3FB6];
	_ =	sdelay $0x3  }
0x37: {  	[smem:$0x3FB6] =	sst s10  }
0x38: {  	s10 =	sld [smem:$0x3FB7]  }
0x39: {  	_ = 	snop;
	(pc) =	sbr.ind lr, $3  }
0x3a: {  	_ = 	snop  }
0x3b: {  	_ = 	snop  }
0x3c: {  	p2 =	seq.s32 s10, $0x1;
	s10 =	sld [smem:$0x3FB6]  }
0x3d: {  	_ =	shalt  }
0x3e: {  	_ =	shalt  }
0x3f: {  	_ =	shalt  }
0x40: {  	_ =	shalt  }
0x41: {  	_ =	shalt  }
0x42: {  	_ =	shalt  }
0x43: {  	_ =	shalt  }
0x44: {  	_ =	shalt  }
0x45: {  	_ =	shalt  }
0x46: {  	_ =	shalt  }
0x47: {  	_ =	shalt  }
0x48: {  	_ =	shalt  }
0x49: {  	_ =	shalt  }
0x4a: {  	_ =	shalt  }
0x4b: {  	_ =	shalt  }
0x4c: {  	_ =	shalt  }
0x4d: {  	_ =	shalt  }
0x4e: {  	_ =	shalt  }
0x4f: {  	_ =	shalt  }
0x50: {  	_ =	shalt  }
0x51: {  	_ =	shalt  }
0x52: {  	_ =	shalt  }
0x53: {  	_ =	shalt  }
0x54: {  	_ =	shalt  }
0x55: {  	_ =	shalt  }
0x56: {  	_ =	shalt  }
0x57: {  	_ =	shalt  }
0x58: {  	_ =	shalt  }
0x59: {  	_ =	shalt  }
0x5a: {  	_ =	shalt  }
0x5b: {  	_ =	shalt  }
0x5c: {  	_ =	shalt  }
0x5d: {  	_ =	shalt  }
0x5e: {  	_ =	shalt  }
0x5f: {  	_ =	shalt  }
0x60: {  	_ =	shalt  }
0x61: {  	_ =	shalt  }
0x62: {  	_ =	shalt  }
0x63: {  	_ =	shalt  }
0x64: {  	_ =	shalt  }
0x65: {  	_ =	shalt  }
0x66: {  	_ =	shalt  }
0x67: {  	_ =	shalt  }
0x68: {  	_ =	shalt  }
0x69: {  	_ =	shalt  }
0x6a: {  	_ =	shalt  }
0x6b: {  	_ =	shalt  }
0x6c: {  	_ =	shalt  }
0x6d: {  	_ =	shalt  }
0x6e: {  	_ =	shalt  }
0x6f: {  	_ =	shalt  }
0x70: {  	_ =	shalt  }
0x71: {  	_ =	shalt  }
0x72: {  	_ =	shalt  }
0x73: {  	_ =	shalt  }
0x74: {  	_ =	shalt  }
0x75: {  	_ =	shalt  }
0x76: {  	_ =	shalt  }
0x77: {  	_ =	shalt  }
0x78: {  	_ =	shalt  }
0x79: {  	_ =	shalt  }
0x7a: {  	_ =	shalt  }
0x7b: {  	_ =	shalt  }
0x7c: {  	_ =	shalt  }
0x7d: {  	_ =	shalt  }
0x7e: {  	_ =	shalt  }
0x7f: {  	_ =	shalt  }
0x80: {  	_ =	shalt  }
0x81: {  	_ =	shalt  }
0x82: {  	_ =	shalt  }
0x83: {  	_ =	shalt  }
0x84: {  	_ =	shalt  }
0x85: {  	_ =	shalt  }
0x86: {  	_ =	shalt  }
0x87: {  	_ =	shalt  }
.Lfunc_end0:
.L_simem_size_0:
called_computation.2_lowered:
.L_overlay_start_0:
0x88: {  	s2 =	sld [smem:$0x3FD9]  }
0x89: {  	s3 =	sld [smem:$0x3FFE];
	_ =	sdelay $0x1  }
0x8a: {  	s1 =	srdreg.scid  }
0x8b: {  	s0 =	sand.u32 $0x1, s1  }
0x8c: {  	s17 =	sshll.u32 s0, $0xA;
	s2 =	sadd.s32 s3, s2  }
0x8d: {  	s2 =	sadd.s32 s2, s17  }
0x8e: {  	[smem:$0x3FC2] =	sst s2  }
0x8f: {  	_ = 	snop  }
0x90: {  	s2 =	sld [smem:$0x3FD0];
	(tm) =	ssettm $0x1  }
0x91: {  	s18 =	sld [smem:$0x3FFB];
	_ =	sdelay $0x3  }
0x92: {  	_ =	strace s18  }
0x93: {  	s3 =	sld [smem:$0x3FFC];
	_ =	sdelay $0x3  }
0x94: {  	_ =	strace s3  }
0x95: {  	s3 =	sld [smem:$0x3FFD];
	_ =	sdelay $0x3  }
0x96: {  	_ =	strace s3  }
0x97: {  	_ =	strace $0x8FFFFFFF  }
0x98: {  	s19 =	sld [smem:$0x3FDB];
	_ =	sdelay $0x1  }
0x99: {  	s4 =	simm.s32 $_scs_section_size  }
0x9a: {  	s5 =	simm.s32 $_size__tile_overlayer_lowered;
	s6 =	simm.s32 $_tile_overlayer_lowered  }
0x9b: {  	s22 =	simm.s32 $0x1BFF;
	s21 =	sshll.u32 s6, $0x1;
	s3 =	sadd.s32 s4, s19  }
0x9c: {  	s7 =	simm.s32 $0x0;
	s20 =	sshll.u32 s5, $0x1;
	s5 =	sadd.s32 s21, s3  }
0x9d: {  	[timem:s7], [sflag:s22] =	dma.local [hbm:s5], s20  }
0x9e: {  	_ =	swait.ge [sflag:s22], s20  }
0x9f: {  	s4 =	ssub.s32 $0x0, s20;
	[sflag:s22] =	ssyncset.done $0x0  }
0xa0: {  	[sflag:s22] =	ssyncadd.s32 s4;
	_ =	sdelay $0x1  }
0xa1: {  	s23 =	simm.s32 $0x1B8B  }
0xa2: {  	_ =	swait.ge [sflag:s23], $0x1  }
0xa3: {  	[sflag:s23] =	ssyncset.done $0x0  }
0xa4: {  	s25 =	simm.s32 $0x1B8E;
	s24 =	sld [smem:$0x3FFE];
	[sflag:s23] =	ssyncadd.s32 $0xFFFFFFFF  }
0xa5: {  	s26 =	simm.s32 $execute0_lowered;
	[smem:$0x3FD2] =	sst s25  }
0xa6: {  	s5 =	sshll.u32 s26, $0x1;
	_ =	strace $0x8000004C;
	[dreg:$0x1] =	wrdreg $0xFFFFFFFF  }
0xa7: {  	s28 =	simm.s32 $_size_execute0_lowered;
	s3 =	sadd.s32 s3, s5;
	[dreg:$0x0] =	wrdreg $0x0  }
0xa8: {  	s5 =	sshll.u32 s28, $0x1;
	[dreg:$0x2] =	wrdreg s3  }
0xa9: {  	[dreg:$0x3] =	wrdreg s5  }
0xaa: {  	[dreg:$0x4] =	wrdreg $0xC0  }
0xab: {  	_ =	task [dreg:s7], $0x5FFFF  }
0xac: {  	[dreg:$0x1] =	wrdreg $0xFFFFFFFF  }
0xad: {  	[dreg:$0x0] =	wrdreg $0x60  }
0xae: {  	[dreg:$0x2] =	wrdreg s24  }
0xaf: {  	[dreg:$0x3] =	wrdreg s2  }
0xb0: {  	[dreg:$0x4] =	wrdreg $0x70000  }
0xb1: {  	[dreg:$0x5] =	wrdreg $0x9  }
0xb2: {  	_ =	task.clear_ibuf [dreg:s7], $0x6FFFF;
	_ =	strace $0x9000004C  }
0xb3: {  	s29 =	simm.s32 $0x9;
	_ =	strace $0x8000004E  }
0xb4: {  	_ =	swait.ge [sflag:s29], $0x1  }
0xb5: {  	[sflag:s29] =	ssyncadd.s32 $0xFFFFFFFF  }
0xb6: {  	_ =	strace $0x9000004E  }
0xb7: {  	_ =	sfence  }
0xb8: {  	s30 =	sld [smem:$0x0];
	_ =	sdelay $0x2  }
0xb9: {  	s31 =	sshll.u32 s1, $0xD;
	s1 =	sshrl.u32 s1, $0x2  }
0xba: {  	s3 =	sand.u32 $0x4000, s31;
	s1 =	sadd.s32 s1, s30  }
0xbb: {  	s0 =	sor.u32 s3, s0;
	s1 =	sshll.u32 s1, $0x11  }
0xbc: {  	s0 =	sor.u32 s1, s0  }
0xbd: {  	s0 =	sadd.s32 $0x8F2B, s0  }
0xbe: {  	[sflag:s0] =	ssyncadd.remote.s32 $0x1  }
0xbf: {  	_ =	sfence.sel $0xFFFF  }
0xc0: {  	[dreg:$0x0] =	wrdreg $0xFFFFFFFF;
	(pc) =	sbr.abs _section_cstart, $3  }
0xc1: {  	[dreg:$0x1] =	wrdreg $0xFFFFFFFF  }
0xc2: {  	_ =	task.clear_ibuf [dreg:s7], $0x2FFFF;
	_ =	strace $0x9FFFFFFF  }
0xc3: {  	(tm) =	ssettm $0x7FFFFFFF  }
tec
execute0_lowered:
.L_overlay_start_1:
0x0: {  	(tag) =	ssettag $0x1  }
0x1: {  	s9 =	rddreg [dreg:$0x0]  }
0x2: {  	s0 =	srdreg.scid;
	s8 =	rddreg [dreg:$0x1]  }
0x3: {  	s2 =	rddreg [dreg:$0x2];
	s1 =	stileid.u32;
	s3 =	simm.s32 $0x0  }
0x4: {  	s15 =	simm.s32 $0x80800;
	s5 =	sand.u32 $0x1, s0;
	s0 =	rddreg [dreg:$0x3]  }
0x5: {  	s16 =	simm.s32 $0x1;
	s17 =	simm.s32 $0x0;
	[smem:$0x7FF] =	sst s3  }
0x6: {  	s7 =	smul.u32 $0xA000, s1;
	s30 =	sshll.u32 s1, $0x6;
	s4 =	sshll.u32 s5, $0x4  }
0x7: {  	_ =	strace $0x8000004D;
	s6 =	ssub.s32 $0x2, s5;
	p0 =	seq.s32 s5, $0x1  }
0x8: {  	s4 =	sor.u32 s1, s4;
	s12 =	sshrl.u32 s6, $0x1;
	s13 =	sadd.s32 s7, s2  }
0x9: {  	s14 =	sshrl.u32 s7, $0x3;
	s15 =	simm.s32 @!p0 $0x94800;
	s10 =	smul.u32 $0x500, s4  }
0xa: {  	s4 =	sadd.s32 $0x6C800, s9;
	s12 =	ssub.s32 s6, s12;
	s6 =	sor.u32 $0x1C02, s30  }
0xb: {  	s31 =	sadd.s32 s15, s9;
	s15 =	simm.s32 $0x5000;
	s5 =	sadd.s32 s4, s14  }
0xc: {  	s11 =	sadd.s32 s10, s9;
	s8 =	sadd.s32 s8, s10;
	s9 =	smax.u32 s12, $0x1  }
0xd: {  	s10 =	sadd.s32 s31, s14;
	s12 =	simm.s32 $0x2;
	s14 =	simm.s32 $0x80  }
0xe: {  	s7 =	sadd.s32 $0x12800, s11;
	s11 =	sshrl.u32 s13, $0x3;
	s13 =	simm.s32 $0x2800  }
.LBB2_1:
0xf: {  	[spmem:s11], [sflag:s6] =	dma.local [hbm:s5], $0x1400  }
0x10: {  	_ =	swait.ge [sflag:s12], $0x1400  }
0x11: {  	[sflag:s12] =	ssyncset.done $0x0  }
0x12: {  	[sflag:s12] =	ssyncadd.s32 $0xFFFFEC00  }
0x13: {  	[tilespmem:s3], [sflag:$0x2] =	stream.linear.gather [hbm4b:s7+s3], $0x2800, $0x38;
	[tilespmem:$0x11000] =	vst v63  }
0x14: {  	_ =	swait.ge [sflag:s12], $0x2800  }
0x15: {  	[sflag:s12] =	ssyncset.done $0x0  }
0x16: {  	[sflag:s12] =	ssyncadd.s32 $0xFFFFD800  }
0x17: {  	[tilespmem:s13], [sflag:$0x2] =	stream.linear.gather [hbm4b:s8+s3], $0x2800, $0x38;
	[tilespmem:$0x11000] =	vst v63  }
0x18: {  	_ =	swait.ge [sflag:s12], $0x2800  }
0x19: {  	[sflag:s12] =	ssyncset.done $0x0  }
0x1a: {  	[sflag:s12] =	ssyncadd.s32 $0xFFFFD800  }
0x1b: {  	s18 =	simm.s32 $0x0;
	[bflag:$0x0] =	sbarrier.arrive $0xFFFF  }
0x1c: {  	[tilespmem:s15], [sflag:$0x1] =	stream.indirect.gather [hbm4b:s4+s14], $0x40, s18, s14, $0xb8;
	[tilespmem:$0x11000] =	vst v63  }
0x1d: {  	_ =	swait.ge [sflag:s16], $0x2000  }
0x1e: {  	[sflag:s16] =	ssyncset.done $0x0  }
0x1f: {  	s31 =	simm.s32 $0x2800;
	[sflag:s16] =	ssyncadd.s32 $0xFFFFE000  }
0x20: {  	[spmem:s2] =	stream.indirect.scatter.add.f32 [tilespmem:s15], [sflag:$0x2], $0x40, s31, s14, $0xb8;
	[tilespmem:$0x11000] =	vst v63  }
0x21: {  	_ =	swait.ge [sflag:s12], $0x2000  }
0x22: {  	s19 =	simm.s32 $0x400;
	s18 =	simm.s32 $0x200;
	[sflag:s12] =	ssyncset.done $0x0  }
.LBB2_2:
0x23: {  	s20 =	sshra.s32 s18, $0x2  }
0x24: {  	[sflag:s12] =	ssyncadd.s32 $0xFFFFE000;
	s18 =	smov.u32 s19;
	s21 =	sadd.s32 $0x200, s19  }
0x25: {  	[tilespmem:s15], [sflag:$0x1] =	stream.indirect.gather [hbm4b:s4+s14], $0x40, s20, s14, $0xb8;
	[tilespmem:$0x11000] =	vst v63  }
0x26: {  	p0 =	sne.s32 s19, $0x9E00;
	_ =	swait.ge [sflag:s16], $0x2000  }
.Ltmp0:
0x27: {  	[sflag:s16] =	ssyncset.done $0x0;
	(pc) =	sbr.rel @p0 .LBB2_2-.Ltmp0, $4  }
0x28: {  	s19 =	sadd.s32 $0x2800, s20;
	[sflag:s16] =	ssyncadd.s32 $0xFFFFE000  }
0x29: {  	[spmem:s2] =	stream.indirect.scatter.add.f32 [tilespmem:s15], [sflag:$0x2], $0x40, s19, s14, $0xb8;
	[tilespmem:$0x11000] =	vst v63  }
0x2a: {  	_ =	swait.ge [sflag:s12], $0x2000  }
0x2b: {  	s19 =	smov.u32 s21;
	[sflag:s12] =	ssyncset.done $0x0  }
0x2c: {  	s18 =	sshra.s32 s18, $0x2;
	[sflag:s12] =	ssyncadd.s32 $0xFFFFE000  }
0x2d: {  	[tilespmem:s15], [sflag:$0x1] =	stream.indirect.gather [hbm4b:s4+s14], $0x40, s18, s14, $0xb8;
	[tilespmem:$0x11000] =	vst v63  }
0x2e: {  	_ =	swait.ge [sflag:s16], $0x2000  }
0x2f: {  	[sflag:s16] =	ssyncset.done $0x0  }
0x30: {  	s18 =	sadd.s32 $0x2800, s18;
	[sflag:s16] =	ssyncadd.s32 $0xFFFFE000  }
0x31: {  	[spmem:s2] =	stream.indirect.scatter.add.f32 [tilespmem:s15], [sflag:$0x2], $0x40, s18, s14, $0xb8;
	[tilespmem:$0x11000] =	vst v63  }
0x32: {  	_ =	swait.ge [sflag:s12], $0x2000  }
0x33: {  	s17 =	sadd.s32 $0x1, s17;
	[sflag:s12] =	ssyncset.done $0x0  }
0x34: {  	p0 =	sne.s32 s17, s9;
	[sflag:s12] =	ssyncadd.s32 $0xFFFFE000  }
.Ltmp1:
0x35: {  	[bflag:$0x0] =	sbarrier.arrive $0xFFFF;
	(pc) =	sbr.rel @p0 .LBB2_1-.Ltmp1, $4  }
0x36: {  	[hbm:s10], [sflag:s6] =	dma.local [spmem:s11], $0x1400  }
0x37: {  	_ =	swait.ge [sflag:s12], $0x1400  }
0x38: {  	[sflag:s12] =	ssyncset.done $0x0  }
0x39: {  	[sflag:s12] =	ssyncadd.s32 $0xFFFFEC00  }
0x3a: {  	_ =	sfence.sel $0x180000  }
0x3b: {  	[bflag:$0x0] =	sbarrier.arrive $0xFFFF  }
0x3c: {  	p0 =	sne.s32 s1, $0x0;
	_ =	strace $0x9000004D  }
0x3d: {  	s0 =	sadd.s32 @!p0 $0x100000, s0;
	[bflag:$0x2] =	sbarrier.arrive $0xFFFF  }
0x3e: {  	[sflag:s0] =	ssyncadd.tile.s32 @!p0 $0x1;
	_ =	shalt  }
.Lfunc_end2:
_tile_overlayer_lowered:
.L_overlay_start_2:
0x3f: {  	(tag) =	ssettag $0x2  }
0x40: {  	s0 =	rddreg [dreg:$0x0];
	s2 =	stileid.u32  }
0x41: {  	s1 =	rddreg [dreg:$0x1];
	p0 =	sne.s32 s2, $0x0  }
0x42: {  	s3 =	rddreg [dreg:$0x2];
	[bflag:$0x3] =	sbarrier.arrive $0xFFFF;
	s2 =	simm.s32 @!p0 $0x1C02  }
0x43: {  	[timem:s3], [sflag:s2] =	dma.local @!p0 [hbm:s0], s1  }
0x44: {  	s0 =	simm.s32 @!p0 $0x2  }
0x45: {  	_ =	swait.ge @!p0 [sflag:s0], s1  }
0x46: {  	s1 =	ssub.s32 @!p0 $0x0, s1;
	[sflag:s0] =	ssyncset.done @!p0 $0x0  }
0x47: {  	[sflag:s0] =	ssyncadd.s32 @!p0 s1  }
0x48: {  	[bflag:$0x3] =	sbarrier.arrive $0xFFFF  }
0x49: {  	_ =	shalt  }

// kernel: kernel.8.cloned.1.call-start
scs
__scs_entry_jumppad:
0x0: {  	(pc) =	sbr.rel $0x88, $3  }
0x1: {  	(tag) =	ssettag $0x0;
	lr =	simm.s32 $0x1  }
0x2: {  	[smem:$0x3F9B] =	sst lr;
	_ =	strace $0xD0000000  }
0x3: {  	_ = 	snop  }
0x4: {  	_ = 	snop  }
0x5: {  	_ = 	snop  }
0x6: {  	_ = 	snop  }
0x7: {  	_ = 	snop  }
__scs_overlays_trampoline_lowered:
0x8: {  	[smem:$0x3FAA] =	sst s0  }
0x9: {  	[smem:$0x3FAB] =	sst s1  }
0xa: {  	[smem:$0x3FAC] =	sst s2  }
0xb: {  	[smem:$0x3FAD] =	sst s3  }
0xc: {  	[smem:$0x3FAE] =	sst s4  }
0xd: {  	[smem:$0x3FAF] =	sst s5  }
0xe: {  	[smem:$0x3FB0] =	sst s6  }
0xf: {  	[smem:$0x3FB1] =	sst s7  }
0x10: {  	[smem:$0x3FB2] =	sst s8  }
0x11: {  	[smem:$0x3FB3] =	sst s9;
	s0 =	simm.s32 @!p0 $0x0  }
0x12: {  	s1 =	sld [smem:$0x3F99];
	s0 =	simm.s32 @p0 $0x1  }
0x13: {  	[smem:$0x3FB4] =	sst s0;
	s0 =	simm.s32 @!p1 $0x0  }
0x14: {  	s2 =	sld [smem:$0x3F98];
	s0 =	simm.s32 @p1 $0x1  }
0x15: {  	[smem:$0x3FB5] =	sst s0;
	s0 =	simm.s32 @!p2 $0x0  }
0x16: {  	s3 =	sld [smem:$0x3FDB];
	s0 =	simm.s32 @p2 $0x1  }
0x17: {  	s4 =	simm.s32 $0x1BF5;
	[smem:$0x3FB7] =	sst s0  }
0x18: {  	s0 =	sld [smem:$0x3F9A];
	_ =	swait.ge [sflag:s4], $0x0  }
0x19: {  	s7 =	sld [smem:$0x3F9B]  }
0x1a: {  	s8 =	sadd.s32 $0xFFFFE003, lr  }
0x1b: {  	s9 =	sadd.s32 $0xFFFFFEF7, lr;
	s5 =	simm.s32 $0xFFFFFFFF;
	p2 =	slt.u32 s8, $0xFFFFF086  }
0x1c: {  	p1 =	slt.u32 s9, $0xF7A;
	s5 =	simm.s32 @!p2 $0x0  }
0x1d: {  	s5 =	simm.s32 @p1 $0x1;
	p0 =	seq.s32 s7, s2  }
0x1e: {  	s7 =	smul.u32 @!p0 $0xF7A, s2;
	p2 =	seq.s32 @!p0 s5, $0x0  }
0x1f: {  	s9 =	smul.u32 $0xF7A, s1;
	s8 =	simm.s32 @!p0 $0x1BF5;
	p2 =	por !p2, p0  }
0x20: {  	[sflag:s8] =	ssyncset.s32 @!p0 $0xFFFFF086;
	s6 =	sadd.s32 @!p0 s3, s7;
	s7 =	simm.s32 @!p0 $0x108  }
0x21: {  	s3 =	sadd.s32 s3, s9;
	s6 =	sadd.s32 @!p0 $0x88, s6;
	s7 =	simm.s32 @p2 $0x1082  }
0x22: {  	[simem:s7], [sflag:s8] =	dma.local @!p0 [hbm:s6], $0xF7A  }
0x23: {  	s9 =	sor.u32 $0xD0000000, s2;
	s6 =	simm.s32 $0x108;
	_ =	swait.ge @!p0 [sflag:s8], $0x0  }
0x24: {  	s3 =	sadd.s32 $0x88, s3;
	s6 =	simm.s32 @!p1 $0x1082;
	[sflag:s4] =	ssyncset.s32 $0xFFFFF086  }
0x25: {  	[simem:s6], [sflag:s4] =	dma.local [hbm:s3], $0xF7A  }
0x26: {  	[smem:$0x3F9B] =	sst s1;
	(tag) =	ssettag s2;
	_ =	strace s9  }
0x27: {  	s1 =	sld [smem:$0x3FAB]  }
0x28: {  	s2 =	sld [smem:$0x3FAC]  }
0x29: {  	s4 =	sld [smem:$0x3FAE]  }
0x2a: {  	p0 =	seq.s32 s5, $0x0;
	s5 =	sld [smem:$0x3FAF]  }
0x2b: {  	s6 =	sld [smem:$0x3FB0]  }
0x2c: {  	s7 =	sld [smem:$0x3FB1]  }
0x2d: {  	s3 =	simm.s32 $0x108;
	s8 =	sld [smem:$0x3FB2]  }
0x2e: {  	s3 =	simm.s32 @!p0 $0x1082;
	s9 =	sld [smem:$0x3FB3]  }
0x2f: {  	lr =	sadd.s32 s0, s3;
	s0 =	sld [smem:$0x3FAA]  }
0x30: {  	s3 =	sld [smem:$0x3FAD]  }
0x31: {  	[smem:$0x3FB6] =	sst s10  }
0x32: {  	s10 =	sld [smem:$0x3FB4];
	_ =	sdelay $0x3  }
0x33: {  	p0 =	seq.s32 s10, $0x1;
	s10 =	sld [smem:$0x3FB6];
	_ =	sdelay $0x3  }
0x34: {  	[smem:$0x3FB6] =	sst s10  }
0x35: {  	s10 =	sld [smem:$0x3FB5];
	_ =	sdelay $0x3  }
0x36: {  	p1 =	seq.s32 s10, $0x1;
	s10 =	sld [smem:$0x3FB6];
	_ =	sdelay $0x3  }
0x37: {  	[smem:$0x3FB6] =	sst s10  }
0x38: {  	s10 =	sld [smem:$0x3FB7]  }
0x39: {  	_ = 	snop;
	(pc) =	sbr.ind lr, $3  }
0x3a: {  	_ = 	snop  }
0x3b: {  	_ = 	snop  }
0x3c: {  	p2 =	seq.s32 s10, $0x1;
	s10 =	sld [smem:$0x3FB6]  }
0x3d: {  	_ =	shalt  }
0x3e: {  	_ =	shalt  }
0x3f: {  	_ =	shalt  }
0x40: {  	_ =	shalt  }
0x41: {  	_ =	shalt  }
0x42: {  	_ =	shalt  }
0x43: {  	_ =	shalt  }
0x44: {  	_ =	shalt  }
0x45: {  	_ =	shalt  }
0x46: {  	_ =	shalt  }
0x47: {  	_ =	shalt  }
0x48: {  	_ =	shalt  }
0x49: {  	_ =	shalt  }
0x4a: {  	_ =	shalt  }
0x4b: {  	_ =	shalt  }
0x4c: {  	_ =	shalt  }
0x4d: {  	_ =	shalt  }
0x4e: {  	_ =	shalt  }
0x4f: {  	_ =	shalt  }
0x50: {  	_ =	shalt  }
0x51: {  	_ =	shalt  }
0x52: {  	_ =	shalt  }
0x53: {  	_ =	shalt  }
0x54: {  	_ =	shalt  }
0x55: {  	_ =	shalt  }
0x56: {  	_ =	shalt  }
0x57: {  	_ =	shalt  }
0x58: {  	_ =	shalt  }
0x59: {  	_ =	shalt  }
0x5a: {  	_ =	shalt  }
0x5b: {  	_ =	shalt  }
0x5c: {  	_ =	shalt  }
0x5d: {  	_ =	shalt  }
0x5e: {  	_ =	shalt  }
0x5f: {  	_ =	shalt  }
0x60: {  	_ =	shalt  }
0x61: {  	_ =	shalt  }
0x62: {  	_ =	shalt  }
0x63: {  	_ =	shalt  }
0x64: {  	_ =	shalt  }
0x65: {  	_ =	shalt  }
0x66: {  	_ =	shalt  }
0x67: {  	_ =	shalt  }
0x68: {  	_ =	shalt  }
0x69: {  	_ =	shalt  }
0x6a: {  	_ =	shalt  }
0x6b: {  	_ =	shalt  }
0x6c: {  	_ =	shalt  }
0x6d: {  	_ =	shalt  }
0x6e: {  	_ =	shalt  }
0x6f: {  	_ =	shalt  }
0x70: {  	_ =	shalt  }
0x71: {  	_ =	shalt  }
0x72: {  	_ =	shalt  }
0x73: {  	_ =	shalt  }
0x74: {  	_ =	shalt  }
0x75: {  	_ =	shalt  }
0x76: {  	_ =	shalt  }
0x77: {  	_ =	shalt  }
0x78: {  	_ =	shalt  }
0x79: {  	_ =	shalt  }
0x7a: {  	_ =	shalt  }
0x7b: {  	_ =	shalt  }
0x7c: {  	_ =	shalt  }
0x7d: {  	_ =	shalt  }
0x7e: {  	_ =	shalt  }
0x7f: {  	_ =	shalt  }
0x80: {  	_ =	shalt  }
0x81: {  	_ =	shalt  }
0x82: {  	_ =	shalt  }
0x83: {  	_ =	shalt  }
0x84: {  	_ =	shalt  }
0x85: {  	_ =	shalt  }
0x86: {  	_ =	shalt  }
0x87: {  	_ =	shalt  }
.Lfunc_end0:
.L_simem_size_0:
called_computation_lowered:
.L_overlay_start_0:
0x88: {  	s2 =	sld [smem:$0x3FD9]  }
0x89: {  	s3 =	sld [smem:$0x3FFE];
	_ =	sdelay $0x1  }
0x8a: {  	s1 =	srdreg.scid  }
0x8b: {  	s0 =	sand.u32 $0x1, s1  }
0x8c: {  	s17 =	sshll.u32 s0, $0xA;
	s2 =	sadd.s32 s3, s2  }
0x8d: {  	s2 =	sadd.s32 s2, s17  }
0x8e: {  	[smem:$0x3FC2] =	sst s2  }
0x8f: {  	_ = 	snop  }
0x90: {  	s2 =	sld [smem:$0x3FD0];
	(tm) =	ssettm $0x1  }
0x91: {  	s18 =	sld [smem:$0x3FFB];
	_ =	sdelay $0x3  }
0x92: {  	_ =	strace s18  }
0x93: {  	s3 =	sld [smem:$0x3FFC];
	_ =	sdelay $0x3  }
0x94: {  	_ =	strace s3  }
0x95: {  	s3 =	sld [smem:$0x3FFD];
	_ =	sdelay $0x3  }
0x96: {  	_ =	strace s3  }
0x97: {  	_ =	strace $0x8FFFFFFF  }
0x98: {  	s19 =	sld [smem:$0x3FDB];
	_ =	sdelay $0x1  }
0x99: {  	s4 =	simm.s32 $_scs_section_size  }
0x9a: {  	s5 =	simm.s32 $_size__tile_overlayer_lowered;
	s6 =	simm.s32 $_tile_overlayer_lowered  }
0x9b: {  	s22 =	simm.s32 $0x1BFF;
	s21 =	sshll.u32 s6, $0x1;
	s3 =	sadd.s32 s4, s19  }
0x9c: {  	s7 =	simm.s32 $0x0;
	s20 =	sshll.u32 s5, $0x1;
	s5 =	sadd.s32 s21, s3  }
0x9d: {  	[timem:s7], [sflag:s22] =	dma.local [hbm:s5], s20  }
0x9e: {  	_ =	swait.ge [sflag:s22], s20  }
0x9f: {  	s4 =	ssub.s32 $0x0, s20;
	[sflag:s22] =	ssyncset.done $0x0  }
0xa0: {  	[sflag:s22] =	ssyncadd.s32 s4;
	_ =	sdelay $0x1  }
0xa1: {  	s23 =	simm.s32 $0x1B8B  }
0xa2: {  	_ =	swait.ge [sflag:s23], $0x1  }
0xa3: {  	[sflag:s23] =	ssyncset.done $0x0  }
0xa4: {  	s25 =	simm.s32 $0x1B8E;
	s24 =	sld [smem:$0x3FFE];
	[sflag:s23] =	ssyncadd.s32 $0xFFFFFFFF  }
0xa5: {  	s26 =	simm.s32 $execute0_lowered;
	[smem:$0x3FD2] =	sst s25  }
0xa6: {  	s5 =	sshll.u32 s26, $0x1;
	_ =	strace $0x80000046;
	[dreg:$0x1] =	wrdreg $0xFFFFFFFF  }
0xa7: {  	s28 =	simm.s32 $_size_execute0_lowered;
	s3 =	sadd.s32 s3, s5;
	[dreg:$0x0] =	wrdreg $0x0  }
0xa8: {  	s5 =	sshll.u32 s28, $0x1;
	[dreg:$0x2] =	wrdreg s3  }
0xa9: {  	[dreg:$0x3] =	wrdreg s5  }
0xaa: {  	[dreg:$0x4] =	wrdreg $0xC0  }
0xab: {  	_ =	task [dreg:s7], $0x5FFFF  }
0xac: {  	[dreg:$0x1] =	wrdreg $0xFFFFFFFF  }
0xad: {  	[dreg:$0x0] =	wrdreg $0x60  }
0xae: {  	[dreg:$0x2] =	wrdreg s2  }
0xaf: {  	[dreg:$0x3] =	wrdreg s24  }
0xb0: {  	[dreg:$0x4] =	wrdreg $0x30000  }
0xb1: {  	[dreg:$0x5] =	wrdreg $0x9  }
0xb2: {  	_ =	task.clear_ibuf [dreg:s7], $0x6FFFF;
	_ =	strace $0x90000046  }
0xb3: {  	s29 =	simm.s32 $0x9;
	_ =	strace $0x80000048  }
0xb4: {  	_ =	swait.ge [sflag:s29], $0x1  }
0xb5: {  	[sflag:s29] =	ssyncadd.s32 $0xFFFFFFFF  }
0xb6: {  	_ =	strace $0x90000048  }
0xb7: {  	_ =	sfence  }
0xb8: {  	s30 =	sld [smem:$0x0];
	_ =	sdelay $0x2  }
0xb9: {  	s31 =	sshll.u32 s1, $0xD;
	s1 =	sshrl.u32 s1, $0x2  }
0xba: {  	s3 =	sand.u32 $0x4000, s31;
	s1 =	sadd.s32 s1, s30  }
0xbb: {  	s0 =	sor.u32 s3, s0;
	s1 =	sshll.u32 s1, $0x11  }
0xbc: {  	s0 =	sor.u32 s1, s0  }
0xbd: {  	s0 =	sadd.s32 $0x8F2B, s0  }
0xbe: {  	[sflag:s0] =	ssyncadd.remote.s32 $0x1  }
0xbf: {  	_ =	sfence.sel $0xFFFF  }
0xc0: {  	[dreg:$0x0] =	wrdreg $0xFFFFFFFF;
	(pc) =	sbr.abs _section_cstart, $3  }
0xc1: {  	[dreg:$0x1] =	wrdreg $0xFFFFFFFF  }
0xc2: {  	_ =	task.clear_ibuf [dreg:s7], $0x2FFFF;
	_ =	strace $0x9FFFFFFF  }
0xc3: {  	(tm) =	ssettm $0x7FFFFFFF  }
tec
execute0_lowered:
.L_overlay_start_1:
0x0: {  	(tag) =	ssettag $0x1  }
0x1: {  	s7 =	rddreg [dreg:$0x0]  }
0x2: {  	s5 =	rddreg [dreg:$0x1]  }
0x3: {  	s2 =	rddreg [dreg:$0x2]  }
0x4: {  	s0 =	rddreg [dreg:$0x3];
	s3 =	simm.s32 $0x0  }
0x5: {  	s1 =	stileid.u32;
	s4 =	srdreg.scid;
	s14 =	simm.s32 $0x0  }
0x6: {  	[smem:$0x7FF] =	sst s3;
	s6 =	smul.u32 $0x2800, s1;
	s8 =	sand.u32 $0x1, s4  }
0x7: {  	s4 =	sadd.s32 $0x3600, s5;
	s31 =	sshll.u32 s1, $0x6;
	_ =	strace $0x80000047  }
0x8: {  	s10 =	ssub.s32 $0x2, s8;
	s11 =	sshll.u32 s8, $0x4;
	p0 =	seq.s32 s8, $0x1  }
0x9: {  	s9 =	sshrl.u32 s6, $0x3;
	s29 =	sshrl.u32 s10, $0x1;
	s12 =	sadd.s32 s6, s2  }
0xa: {  	s30 =	sor.u32 s1, s11;
	s6 =	sor.u32 $0x1C01, s31;
	s11 =	simm.s32 $0x8800  }
0xb: {  	s9 =	sadd.s32 s9, s5;
	s10 =	ssub.s32 s10, s29;
	s13 =	smul.u32 $0x500, s30  }
0xc: {  	s11 =	simm.s32 @!p0 $0xD800;
	s5 =	sadd.s32 $0x3800, s9;
	s8 =	smax.u32 s10, $0x1  }
0xd: {  	s9 =	sadd.s32 s11, s9;
	s10 =	sshrl.u32 s12, $0x3;
	s11 =	simm.s32 $0x1  }
0xe: {  	s12 =	simm.s32 $0x2800;
	s7 =	sadd.s32 s7, s13;
	s13 =	simm.s32 $0x80  }
.LBB2_1:
0xf: {  	[spmem:s10], [sflag:s6] =	dma.local [hbm:s5], $0x500  }
0x10: {  	_ =	swait.ge [sflag:s11], $0x500  }
0x11: {  	[sflag:s11] =	ssyncset.done $0x0  }
0x12: {  	[sflag:s11] =	ssyncadd.s32 $0xFFFFFB00  }
0x13: {  	[tilespmem:s12], [sflag:$0x1] =	stream.linear.gather [hbm4b:s4+s3], $0x800, $0x38;
	[tilespmem:$0x5800] =	vst v63  }
0x14: {  	_ =	swait.ge [sflag:s11], $0x800  }
0x15: {  	[sflag:s11] =	ssyncset.done $0x0  }
0x16: {  	[sflag:s11] =	ssyncadd.s32 $0xFFFFF800  }
0x17: {  	[tilespmem:s3], [sflag:$0x1] =	stream.linear.gather [hbm4b:s7+s3], $0x2800, $0x38;
	[tilespmem:$0x5800] =	vst v63  }
0x18: {  	_ =	swait.ge [sflag:s11], $0x2800  }
0x19: {  	[sflag:s11] =	ssyncset.done $0x0  }
0x1a: {  	[sflag:s11] =	ssyncadd.s32 $0xFFFFD800  }
0x1b: {  	s15 =	simm.s32 $0x0;
	[bflag:$0x0] =	sbarrier.arrive $0xFFFF  }
0x1c: {  	[spmem:s2] =	stream.indirect.scatter.add.f32 [tilespmem:s12], [sflag:$0x1], $0x10, s15, s13, $0xb8;
	[tilespmem:$0x5800] =	vst v63  }
0x1d: {  	_ =	swait.ge [sflag:s11], $0x800  }
0x1e: {  	s15 =	simm.s32 $0x200;
	[sflag:s11] =	ssyncset.done $0x0  }
.LBB2_2:
0x1f: {  	s16 =	sshra.s32 s15, $0x2;
	[sflag:s11] =	ssyncadd.s32 $0xFFFFF800;
	p0 =	sne.s32 s15, $0x9E00  }
0x20: {  	[spmem:s2] =	stream.indirect.scatter.add.f32 [tilespmem:s12], [sflag:$0x1], $0x10, s16, s13, $0xb8;
	[tilespmem:$0x5800] =	vst v63  }
.Ltmp0:
0x21: {  	_ = 	snop;
	(pc) =	sbr.rel @p0 .LBB2_2-.Ltmp0, $4  }
0x22: {  	_ = 	snop  }
0x23: {  	s15 =	sadd.s32 $0x200, s15  }
0x24: {  	_ =	swait.ge [sflag:s11], $0x800  }
0x25: {  	[sflag:s11] =	ssyncset.done $0x0  }
0x26: {  	s14 =	sadd.s32 $0x1, s14  }
0x27: {  	[sflag:s11] =	ssyncadd.s32 $0xFFFFF800;
	p0 =	sne.s32 s14, s8  }
.Ltmp1:
0x28: {  	[bflag:$0x0] =	sbarrier.arrive $0xFFFF;
	(pc) =	sbr.rel @p0 .LBB2_1-.Ltmp1, $4  }
0x29: {  	[hbm:s9], [sflag:s6] =	dma.local [spmem:s10], $0x500  }
0x2a: {  	_ =	swait.ge [sflag:s11], $0x500  }
0x2b: {  	[sflag:s11] =	ssyncset.done $0x0  }
0x2c: {  	[sflag:s11] =	ssyncadd.s32 $0xFFFFFB00  }
0x2d: {  	_ =	sfence.sel $0x180000  }
0x2e: {  	[bflag:$0x0] =	sbarrier.arrive $0xFFFF  }
0x2f: {  	p0 =	sne.s32 s1, $0x0;
	_ =	strace $0x90000047  }
0x30: {  	s0 =	sadd.s32 @!p0 $0x100000, s0;
	[bflag:$0x2] =	sbarrier.arrive $0xFFFF  }
0x31: {  	[sflag:s0] =	ssyncadd.tile.s32 @!p0 $0x1;
	_ =	shalt  }
.Lfunc_end2:
_tile_overlayer_lowered:
.L_overlay_start_2:
0x32: {  	(tag) =	ssettag $0x2  }
0x33: {  	s0 =	rddreg [dreg:$0x0];
	s2 =	stileid.u32  }
0x34: {  	s1 =	rddreg [dreg:$0x1];
	p0 =	sne.s32 s2, $0x0  }
0x35: {  	s3 =	rddreg [dreg:$0x2];
	[bflag:$0x3] =	sbarrier.arrive $0xFFFF;
	s2 =	simm.s32 @!p0 $0x1C01  }
0x36: {  	[timem:s3], [sflag:s2] =	dma.local @!p0 [hbm:s0], s1  }
0x37: {  	s0 =	simm.s32 @!p0 $0x1  }
0x38: {  	_ =	swait.ge @!p0 [sflag:s0], s1  }
0x39: {  	s1 =	ssub.s32 @!p0 $0x0, s1;
	[sflag:s0] =	ssyncset.done @!p0 $0x0  }
0x3a: {  	[sflag:s0] =	ssyncadd.s32 @!p0 s1  }
0x3b: {  	[bflag:$0x3] =	sbarrier.arrive $0xFFFF  }
0x3c: {  	_ =	shalt  }

</sc_bundles>
